<compile_context>
chip_gen: v7x
topology: tpu7x:2x2x1
jax: 0.10.2.dev20260603
libtpu: 0.0.44.dev20260713+nightly
codegen_flags: <defaults>
</compile_context>

<pallas_src>
import functools

import jax
import jax.numpy as jnp
from jax import lax
from jax.experimental import pallas as pl
from jax.experimental.pallas import tpu as pltpu
from jax.experimental.pallas import tpu_sc as plsc

_B, _N, _D = 2, 2048, 768
_E = 64
_T = _B * _N
_TM = 64
_NT = 128
_NP = _NT * _TM
_NW = 32
_TPW = _T // _NW
_DH = _D // 2
_DA = _DH + 128
_RB = 1024
_NRB = _T // _RB


def _rank_body(x_ref, rw_ref, rb_ref, gs_ref,
               xa_ref, er_ref, off_ref, te_ref, na_ref, run_s):
    i = pl.program_id(0)
    f32 = jnp.float32

    @pl.when(i == 0)
    def _():
        run_s[...] = jnp.zeros_like(run_s)

    @pl.when(i < _NRB)
    def _():
        x = x_ref[...]
        logits = jnp.dot(x, rw_ref[...], preferred_element_type=f32)
        logits = logits + rb_ref[...]
        m = jnp.max(logits, axis=-1, keepdims=True)
        s = jnp.sum(jnp.exp(logits - m), axis=-1, keepdims=True)
        w = gs_ref[0] / s
        lanes = lax.broadcasted_iota(jnp.int32, (_RB, _E), 1)
        e_col = jnp.min(jnp.where(logits == m, lanes, _E), axis=-1,
                        keepdims=True)
        xb = lax.bitcast_convert_type(x, jnp.int32)
        def _bf_bits(v):
            return lax.shift_right_logical(
                v + 0x7FFF + jnp.bitwise_and(lax.shift_right_logical(v, 16), 1),
                16)
        lo = _bf_bits(xb[:, : _DH])
        hi = _bf_bits(xb[:, _DH : _D])
        wb = _bf_bits(lax.bitcast_convert_type(
            jnp.broadcast_to(w, (_RB, _DA - _DH)), jnp.int32))
        packed_w = jnp.bitwise_or(wb, lax.shift_left(wb, 16))
        xa_ref[...] = jnp.concatenate(
            [jnp.bitwise_or(lo, lax.shift_left(hi, 16)), packed_w], axis=1)

        oh = (lanes == e_col).astype(f32)
        r0 = lax.broadcasted_iota(jnp.int32, (_RB, _RB), 0)
        r1 = lax.broadcasted_iota(jnp.int32, (_RB, _RB), 1)
        lower = (r0 >= r1).astype(f32)
        cum = jnp.dot(lower, oh, preferred_element_type=f32)
        rank_local = jnp.sum(oh * cum, axis=-1, keepdims=True) - 1.0
        run_row = run_s[0:1, :]
        rank = rank_local + jnp.sum(oh * run_row, axis=-1, keepdims=True)
        er_ref[...] = jnp.bitwise_or(lax.shift_left(e_col, 12),
                                     rank.astype(jnp.int32))
        run_s[0:1, :] = run_row + jnp.sum(oh, axis=0, keepdims=True)

    @pl.when(i == _NRB)
    def _():
        c = run_s[0:1, :]
        p = jnp.floor((c + (_TM - 1)) * (1.0 / _TM)) * _TM
        acc = p
        for sh in (1, 2, 4, 8, 16, 32):
            z = jnp.zeros((1, sh), f32)
            acc = acc + jnp.concatenate([z, acc[:, : _E - sh]], axis=1)
        off = acc - p
        off_ref[...] = jnp.broadcast_to(off, (8, _E)).astype(jnp.int32)
        end = off + p
        total = jnp.max(end, axis=-1, keepdims=True)
        starts = lax.broadcasted_iota(jnp.int32, (_NT, 1), 0).astype(f32)
        starts = starts * float(_TM)
        te = jnp.sum((jnp.broadcast_to(end, (_NT, _E))
                      <= jnp.broadcast_to(starts, (_NT, _E))).astype(f32),
                     axis=-1, keepdims=True)
        bins = lax.broadcasted_iota(jnp.int32, (1, _E), 1).astype(f32)
        la = jnp.max(bins * (c > 0.0).astype(f32), axis=-1, keepdims=True)
        te = jnp.where(starts < total, jnp.minimum(te, float(_E - 1)), la)
        te_ref[...] = te.astype(jnp.int32)
        na_ref[...] = jnp.broadcast_to(total * (1.0 / _TM),
                                       (8, 128)).astype(jnp.int32)


def _route_rank(x_flat, router_w, router_b, gate_scale):
    return pl.pallas_call(
        _rank_body,
        grid=(_NRB + 1,),
        in_specs=[
            pl.BlockSpec((_RB, _D), lambda i: (jnp.minimum(i, _NRB - 1), 0)),
            pl.BlockSpec((_D, _E), lambda i: (0, 0)),
            pl.BlockSpec((1, _E), lambda i: (0, 0)),
            pl.BlockSpec(memory_space=pltpu.SMEM),
        ],
        out_specs=[
            pl.BlockSpec((_RB, _DA), lambda i: (jnp.minimum(i, _NRB - 1), 0)),
            pl.BlockSpec((_RB, 1), lambda i: (jnp.minimum(i, _NRB - 1), 0)),
            pl.BlockSpec((8, _E), lambda i: (0, 0)),
            pl.BlockSpec((_NT, 1), lambda i: (0, 0)),
            pl.BlockSpec((8, 128), lambda i: (0, 0)),
        ],
        out_shape=[
            jax.ShapeDtypeStruct((_T, _DA), jnp.int32),
            jax.ShapeDtypeStruct((_T, 1), jnp.int32),
            jax.ShapeDtypeStruct((8, _E), jnp.int32),
            jax.ShapeDtypeStruct((_NT, 1), jnp.int32),
            jax.ShapeDtypeStruct((8, 128), jnp.int32),
        ],
        scratch_shapes=[
            pltpu.VMEM((8, _E), jnp.float32),
        ],
    )(x_flat, router_w, router_b.reshape(1, _E), gate_scale)


def _sc_scatter_rows(x_aug, er1, off8):
    mesh = plsc.VectorSubcoreMesh(core_axis_name="c", subcore_axis_name="s")

    @functools.partial(
        pl.kernel, mesh=mesh,
        out_type=(
            jax.ShapeDtypeStruct((_NP, _DA), jnp.int32),
            jax.ShapeDtypeStruct((_T,), jnp.int32),
        ),
        scratch_types=[
            pltpu.VMEM((_TPW,), jnp.int32),
            pltpu.VMEM((_TPW,), jnp.int32),
            pltpu.VMEM((_E,), jnp.int32),
            pltpu.VMEM((_TPW, _DA), jnp.int32),
            pltpu.SemaphoreType.DMA,
        ],
    )
    def k(x_hbm, er_hbm, off_hbm, out_hbm, pos_hbm,
          er_v, pos_v, off_v, rows_v, sem):
        wid = lax.axis_index("s") * 2 + lax.axis_index("c")
        base = wid * _TPW
        pltpu.sync_copy(off_hbm.at[0], off_v)
        pltpu.sync_copy(er_hbm.at[pl.ds(base, _TPW)], er_v)
        pltpu.sync_copy(x_hbm.at[pl.ds(base, _TPW)], rows_v)
        o_chunks = [off_v[pl.ds(k * 16, 16)] for k in range(4)]
        for g in range(_TPW // 16):
            erv = er_v[pl.ds(g * 16, 16)]
            ev = lax.shift_right_logical(erv, 12)
            rv = jnp.bitwise_and(erv, 4095)
            lo = jnp.bitwise_and(ev, 15)
            hi = jnp.right_shift(ev, 4)
            dnums = lax.GatherDimensionNumbers(
                offset_dims=(), collapsed_slice_dims=(0,),
                start_index_map=(0,))
            def _g16(chunk):
                return lax.gather(
                    chunk, lo[:, None], dnums, slice_sizes=(1,),
                    mode=lax.GatherScatterMode.PROMISE_IN_BOUNDS)
            ov = _g16(o_chunks[0])
            for kk in (1, 2, 3):
                ov = jnp.where(hi == kk, _g16(o_chunks[kk]), ov)
            pos_v[pl.ds(g * 16, 16)] = rv + ov
        pltpu.async_copy(rows_v, out_hbm.at[pos_v], sem).wait()
        pltpu.sync_copy(pos_v, pos_hbm.at[pl.ds(base, _TPW)])

    return k(x_aug, er1, off8)


def _sc_gather_rows(y_padded, pos):
    mesh = plsc.VectorSubcoreMesh(core_axis_name="c", subcore_axis_name="s")

    @functools.partial(
        pl.kernel, mesh=mesh,
        out_type=jax.ShapeDtypeStruct((_T, _D), jnp.float32),
        scratch_types=[
            pltpu.VMEM((_TPW,), jnp.int32),
            pltpu.VMEM((_TPW, _D), jnp.float32),
            pltpu.SemaphoreType.DMA,
        ],
    )
    def k(y_hbm, pos_hbm, out_hbm, idx_v, rows_v, sem):
        wid = lax.axis_index("s") * 2 + lax.axis_index("c")
        base = wid * _TPW
        pltpu.sync_copy(pos_hbm.at[pl.ds(base, _TPW)], idx_v)
        pltpu.async_copy(y_hbm.at[idx_v], rows_v, sem).wait()
        pltpu.sync_copy(rows_v, out_hbm.at[pl.ds(base, _TPW)])

    return k(y_padded, pos)


def _ffn_body(te_ref, na_ref, x_ref, w1_ref, b1_ref, w2_ref, b2_ref,
              lnw_ref, lnb_ref, o_ref):
    i = pl.program_id(0)

    @pl.when(i < na_ref[0, 0])
    def _():
        f32 = jnp.float32
        xp = x_ref[:, : _DH]
        xe = lax.bitcast_convert_type(lax.shift_left(xp, 16), f32)
        xh = lax.bitcast_convert_type(
            jnp.bitwise_and(xp, jnp.int32(-65536)), f32)
        wtok = lax.bitcast_convert_type(
            lax.shift_left(x_ref[:, _DH : _DH + 1], 16), f32)
        w1 = w1_ref[0]
        h = (jnp.dot(xe, w1[: _DH], preferred_element_type=f32)
             + jnp.dot(xh, w1[_DH :], preferred_element_type=f32)
             + b1_ref[0])
        g = 0.5 * h * (1.0 + lax.erf(h * 0.7071067811865476))
        h2 = jnp.dot(g, w2_ref[0], preferred_element_type=jnp.float32) + b2_ref[0]
        y = h2 * wtok
        mu = jnp.mean(y, axis=-1, keepdims=True)
        yc = y - mu
        var = jnp.mean(yc * yc, axis=-1, keepdims=True)
        o_ref[...] = yc * lax.rsqrt(var + 1e-5) * lnw_ref[...] + lnb_ref[...]


def _grouped_ffn(te, nact, x_padded, W1, b1, W2, b2, ln_w, ln_b):
    grid_spec = pltpu.PrefetchScalarGridSpec(
        num_scalar_prefetch=2,
        grid=(_NT,),
        in_specs=[
            pl.BlockSpec((_TM, _DA),
                         lambda i, te, na: (jnp.minimum(i, na[0, 0] - 1), 0)),
            pl.BlockSpec((1, _D, _D), lambda i, te, na: (te[i, 0], 0, 0)),
            pl.BlockSpec((1, 1, _D), lambda i, te, na: (te[i, 0], 0, 0)),
            pl.BlockSpec((1, _D, _D), lambda i, te, na: (te[i, 0], 0, 0)),
            pl.BlockSpec((1, 1, _D), lambda i, te, na: (te[i, 0], 0, 0)),
            pl.BlockSpec((1, _D), lambda i, te, na: (0, 0)),
            pl.BlockSpec((1, _D), lambda i, te, na: (0, 0)),
        ],
        out_specs=pl.BlockSpec(
            (_TM, _D), lambda i, te, na: (jnp.minimum(i, na[0, 0] - 1), 0)),
    )
    return pl.pallas_call(
        _ffn_body,
        grid_spec=grid_spec,
        out_shape=jax.ShapeDtypeStruct((_NP, _D), jnp.float32),
    )(te, nact, x_padded, W1, b1.reshape(_E, 1, _D), W2,
      b2.reshape(_E, 1, _D), ln_w.reshape(1, _D), ln_b.reshape(1, _D))


def kernel(x, router_w, router_b, W1, b1, W2, b2, gate_scale, ln_w, ln_b):
    x_flat = x.reshape(_T, _D)
    x_aug, er_o, off8, te_o, na8 = _route_rank(
        x_flat, router_w, router_b, gate_scale)
    x_padded, pos = _sc_scatter_rows(x_aug, er_o.reshape(_T), off8)
    y_padded = _grouped_ffn(te_o, na8, x_padded, W1, b1, W2, b2, ln_w, ln_b)
    out_flat = _sc_gather_rows(y_padded, pos)
    return out_flat.reshape(_B, _N, _D)

# --- scband reference (transcript-rebuilt; emitter-appended) ---
"""Pipeline reference for scband-mo-eprojector-61323543052999 (READ-ONLY COPY).

The authoritative reference and input builder live on the scoring server;
editing this copy changes nothing except your own understanding.
"""

import jax, jax.numpy as jnp
import numpy as np

B, N, D_IN, D_OUT = 2, 2048, 768, 768
E, TOPK = 64, 1

def _linear_init(key, shape, fan_in):
    bound = 1.0 / np.sqrt(fan_in)
    return jax.random.uniform(key, shape, jnp.float32, -bound, bound)

def setup_inputs(seed: int = 0):
    key = jax.random.key(seed)
    ks = jax.random.split(key, 10)
    x = jax.random.normal(ks[0], (B, N, D_IN), jnp.float32)
    router_w = _linear_init(ks[1], (D_IN, E), D_IN)
    router_b = _linear_init(ks[2], (E,), D_IN)
    W1 = _linear_init(ks[3], (E, D_IN, D_OUT), D_IN)
    b1 = _linear_init(ks[4], (E, D_OUT), D_IN)
    W2 = _linear_init(ks[5], (E, D_OUT, D_OUT), D_OUT)
    b2 = _linear_init(ks[6], (E, D_OUT), D_OUT)
    gate_scale = jnp.ones((1,), jnp.float32) * 0.1
    ln_w = jnp.ones((D_OUT,), jnp.float32)
    ln_b = jnp.zeros((D_OUT,), jnp.float32)
    return {"x": x, "router_w": router_w, "router_b": router_b, "W1": W1, "b1": b1, "W2": W2, "b2": b2, "gate_scale": gate_scale, "ln_w": ln_w, "ln_b": ln_b}

def reference(x, router_w, router_b, W1, b1, W2, b2, gate_scale, ln_w, ln_b):
    x_flat = x.reshape(B * N, D_IN)
    # MoEGate: linear router -> softmax -> top_k weights/indices
    logits = x_flat @ router_w + router_b
    probs = jax.nn.softmax(logits, axis=-1)
    weights, indices = jax.lax.top_k(probs, TOPK)
    out_flat = jnp.zeros((B * N, D_OUT), x.dtype)
    for k in range(TOPK):
        idx_k = indices[:, k]
        w_k = weights[:, k]
        for e in range(E):
            mask = (idx_k == e).astype(x.dtype)
            h = jax.nn.gelu(x_flat @ W1[e] + b1[e], approximate=False) @ W2[e] + b2[e]
            out_flat = out_flat + h * (w_k * mask)[:, None]
    out = out_flat.reshape(B, N, D_OUT)
    y = out * gate_scale
    mu = jnp.mean(y, axis=-1, keepdims=True)
    var = jnp.mean((y - mu) ** 2, axis=-1, keepdims=True)
    return (y - mu) / jnp.sqrt(var + 1e-5) * ln_w + ln_b

if False:  # reference __main__ guard neutralized (emitter)
    inp = setup_inputs()
    o = reference(**inp)
    print(o.shape)

if __name__ == "__main__":
    import jax
    _d = setup_inputs()
    print(jax.jit(kernel)(*tuple(_d.values())))

</pallas_src>

<mosaic_0001>
#map = affine_map<(d0, d1) -> (0, 0)>
#map1 = affine_map<(d0, d1) -> (0)>
module attributes {stable_mosaic.version = 14 : i64} {
  func.func @k(%arg0: i32, %arg1: i32, %arg2: memref<4096x512xi32, #tpu.memory_space<hbm>>, %arg3: memref<4096xi32, #tpu.memory_space<hbm>>, %arg4: memref<8x64xi32, #tpu.memory_space<hbm>>, %arg5: memref<8192x512xi32, #tpu.memory_space<hbm>>, %arg6: memref<4096xi32, #tpu.memory_space<hbm>>, %arg7: memref<128xi32, #tpu.memory_space<vmem>>, %arg8: memref<128xi32, #tpu.memory_space<vmem>>, %arg9: memref<64xi32, #tpu.memory_space<vmem>>, %arg10: memref<128x512xi32, #tpu.memory_space<vmem>>, %arg11: memref<!tpu.dma_semaphore, #tpu.memory_space<semaphore_mem>>) attributes {dimension_semantics = [#tpu.dimension_semantics<core_parallel>, #tpu.dimension_semantics<subcore_parallel>], iteration_bounds = array<i64: 2, 16>, scalar_prefetch = 0 : i64, scratch_operands = 5 : i64, tpu.core_type = #tpu.core_type<sc_vector_subcore>, window_params = [{transform_indices = #map}, {transform_indices = #map1}, {transform_indices = #map}, {transform_indices = #map}, {transform_indices = #map1}]} {
    %mul3A = arith.constant 2 : i32
    %mul3A_0 = arith.muli %arg1, %mul3A : i32
    %add3A = arith.addi %mul3A_0, %arg0 : i32
    %mul3A_1 = arith.constant 128 : i32
    %mul3A_2 = arith.muli %add3A, %mul3A_1 : i32
    %run_scoped3A = arith.constant 0 : i32
    "tpu.region"() ({
      %run_scoped3A_362 = tpu.sem_alloc : memref<!tpu.dma_semaphore, #tpu.memory_space<semaphore_mem>>
      %dma_start3A_363 = arith.constant 0 : i32
      %dma_start3A_364 = tpu.memref_slice %arg4[%run_scoped3A, %dma_start3A_363] : memref<8x64xi32, #tpu.memory_space<hbm>> -> memref<1x64xi32, #tpu.memory_space<hbm>>
      %dma_start3A_365 = tpu.memref_squeeze %dma_start3A_364 : memref<1x64xi32, #tpu.memory_space<hbm>> -> memref<64xi32, #tpu.memory_space<hbm>>
      %dma_start3A_366 = arith.constant 0 : i32
      %dma_start3A_367 = tpu.memref_slice %arg4[%run_scoped3A, %dma_start3A_366] : memref<8x64xi32, #tpu.memory_space<hbm>> -> memref<1x64xi32, #tpu.memory_space<hbm>>
      %dma_start3A_368 = tpu.memref_squeeze %dma_start3A_367 : memref<1x64xi32, #tpu.memory_space<hbm>> -> memref<64xi32, #tpu.memory_space<hbm>>
      tpu.enqueue_dma source(%dma_start3A_368 : memref<64xi32, #tpu.memory_space<hbm>>) target(%arg9 : memref<64xi32, #tpu.memory_space<vmem>>) target_semaphore(%run_scoped3A_362 : memref<!tpu.dma_semaphore, #tpu.memory_space<semaphore_mem>>)
      %dma_wait3A_369 = arith.constant 0 : i32
      %dma_wait3A_370 = tpu.memref_slice %arg4[%run_scoped3A, %dma_wait3A_369] : memref<8x64xi32, #tpu.memory_space<hbm>> -> memref<1x64xi32, #tpu.memory_space<hbm>>
      %dma_wait3A_371 = tpu.memref_squeeze %dma_wait3A_370 : memref<1x64xi32, #tpu.memory_space<hbm>> -> memref<64xi32, #tpu.memory_space<hbm>>
      %dma_wait3A_372 = arith.constant 0 : i32
      %dma_wait3A_373 = tpu.memref_slice %arg4[%run_scoped3A, %dma_wait3A_372] : memref<8x64xi32, #tpu.memory_space<hbm>> -> memref<1x64xi32, #tpu.memory_space<hbm>>
      %dma_wait3A_374 = tpu.memref_squeeze %dma_wait3A_373 : memref<1x64xi32, #tpu.memory_space<hbm>> -> memref<64xi32, #tpu.memory_space<hbm>>
      tpu.wait_dma2 semaphore(%run_scoped3A_362 : memref<!tpu.dma_semaphore, #tpu.memory_space<semaphore_mem>>) src(%dma_wait3A_374 : memref<64xi32, #tpu.memory_space<hbm>>) dst(%arg9 : memref<64xi32, #tpu.memory_space<vmem>>)
      tpu.yield
    }) : () -> ()
    "tpu.region"() ({
      %run_scoped3A_362 = tpu.sem_alloc : memref<!tpu.dma_semaphore, #tpu.memory_space<semaphore_mem>>
      %dma_start3A_363 = tpu.memref_slice %arg3[%mul3A_2] : memref<4096xi32, #tpu.memory_space<hbm>> -> memref<128xi32, #tpu.memory_space<hbm>>
      %dma_start3A_364 = tpu.memref_slice %arg3[%mul3A_2] : memref<4096xi32, #tpu.memory_space<hbm>> -> memref<128xi32, #tpu.memory_space<hbm>>
      tpu.enqueue_dma source(%dma_start3A_364 : memref<128xi32, #tpu.memory_space<hbm>>) target(%arg7 : memref<128xi32, #tpu.memory_space<vmem>>) target_semaphore(%run_scoped3A_362 : memref<!tpu.dma_semaphore, #tpu.memory_space<semaphore_mem>>)
      %dma_wait3A_365 = tpu.memref_slice %arg3[%mul3A_2] : memref<4096xi32, #tpu.memory_space<hbm>> -> memref<128xi32, #tpu.memory_space<hbm>>
      %dma_wait3A_366 = tpu.memref_slice %arg3[%mul3A_2] : memref<4096xi32, #tpu.memory_space<hbm>> -> memref<128xi32, #tpu.memory_space<hbm>>
      tpu.wait_dma2 semaphore(%run_scoped3A_362 : memref<!tpu.dma_semaphore, #tpu.memory_space<semaphore_mem>>) src(%dma_wait3A_366 : memref<128xi32, #tpu.memory_space<hbm>>) dst(%arg7 : memref<128xi32, #tpu.memory_space<vmem>>)
      tpu.yield
    }) : () -> ()
    "tpu.region"() ({
      %run_scoped3A_362 = tpu.sem_alloc : memref<!tpu.dma_semaphore, #tpu.memory_space<semaphore_mem>>
      %dma_start3A_363 = arith.constant 0 : i32
      %dma_start3A_364 = tpu.memref_slice %arg2[%mul3A_2, %dma_start3A_363] : memref<4096x512xi32, #tpu.memory_space<hbm>> -> memref<128x512xi32, #tpu.memory_space<hbm>>
      %dma_start3A_365 = arith.constant 0 : i32
      %dma_start3A_366 = tpu.memref_slice %arg2[%mul3A_2, %dma_start3A_365] : memref<4096x512xi32, #tpu.memory_space<hbm>> -> memref<128x512xi32, #tpu.memory_space<hbm>>
      tpu.enqueue_dma source(%dma_start3A_366 : memref<128x512xi32, #tpu.memory_space<hbm>>) target(%arg10 : memref<128x512xi32, #tpu.memory_space<vmem>>) target_semaphore(%run_scoped3A_362 : memref<!tpu.dma_semaphore, #tpu.memory_space<semaphore_mem>>)
      %dma_wait3A_367 = arith.constant 0 : i32
      %dma_wait3A_368 = tpu.memref_slice %arg2[%mul3A_2, %dma_wait3A_367] : memref<4096x512xi32, #tpu.memory_space<hbm>> -> memref<128x512xi32, #tpu.memory_space<hbm>>
      %dma_wait3A_369 = arith.constant 0 : i32
      %dma_wait3A_370 = tpu.memref_slice %arg2[%mul3A_2, %dma_wait3A_369] : memref<4096x512xi32, #tpu.memory_space<hbm>> -> memref<128x512xi32, #tpu.memory_space<hbm>>
      tpu.wait_dma2 semaphore(%run_scoped3A_362 : memref<!tpu.dma_semaphore, #tpu.memory_space<semaphore_mem>>) src(%dma_wait3A_370 : memref<128x512xi32, #tpu.memory_space<hbm>>) dst(%arg10 : memref<128x512xi32, #tpu.memory_space<vmem>>)
      tpu.yield
    }) : () -> ()
    %get3A = arith.constant 0 : index
    %get3A_3 = tpu.vector_load %arg9[%get3A] {strides = array<i32>} : memref<64xi32, #tpu.memory_space<vmem>>, vector<16xi32>,
    %get3A_4 = vector.shape_cast %get3A_3 : vector<16xi32> to vector<16xi32>
    %get3A_5 = arith.constant 16 : index
    %get3A_6 = tpu.vector_load %arg9[%get3A_5] {strides = array<i32>} : memref<64xi32, #tpu.memory_space<vmem>>, vector<16xi32>,
    %get3A_7 = vector.shape_cast %get3A_6 : vector<16xi32> to vector<16xi32>
    %get3A_8 = arith.constant 32 : index
    %get3A_9 = tpu.vector_load %arg9[%get3A_8] {strides = array<i32>} : memref<64xi32, #tpu.memory_space<vmem>>, vector<16xi32>,
    %get3A_10 = vector.shape_cast %get3A_9 : vector<16xi32> to vector<16xi32>
    %get3A_11 = arith.constant 48 : index
    %get3A_12 = tpu.vector_load %arg9[%get3A_11] {strides = array<i32>} : memref<64xi32, #tpu.memory_space<vmem>>, vector<16xi32>,
    %get3A_13 = vector.shape_cast %get3A_12 : vector<16xi32> to vector<16xi32>
    %get3A_14 = arith.constant 0 : index
    %get3A_15 = tpu.vector_load %arg7[%get3A_14] {strides = array<i32>} : memref<128xi32, #tpu.memory_space<vmem>>, vector<16xi32>,
    %get3A_16 = vector.shape_cast %get3A_15 : vector<16xi32> to vector<16xi32>
    %shift_right_logical3A = arith.constant 12 : i32
    %shift_right_logical3A_17 = vector.broadcast %shift_right_logical3A : i32 to vector<16xi32>
    %shift_right_logical3A_18 = arith.shrui %get3A_16, %shift_right_logical3A_17 : vector<16xi32>
    %and3A = arith.constant 4095 : i32
    %and3A_19 = vector.broadcast %and3A : i32 to vector<16xi32>
    %and3A_20 = arith.andi %get3A_16, %and3A_19 : vector<16xi32>
    %and3A_21 = arith.constant 15 : i32
    %and3A_22 = vector.broadcast %and3A_21 : i32 to vector<16xi32>
    %and3A_23 = arith.andi %shift_right_logical3A_18, %and3A_22 : vector<16xi32>
    %shift_right_arithmetic3A = arith.constant 4 : i32
    %shift_right_arithmetic3A_24 = vector.broadcast %shift_right_arithmetic3A : i32 to vector<16xi32>
    %shift_right_arithmetic3A_25 = arith.shrsi %shift_right_logical3A_18, %shift_right_arithmetic3A_24 : vector<16xi32>
    %broadcast_in_dim3A = vector.shape_cast %and3A_23 : vector<16xi32> to vector<16x1xi32>
    %gather3A = vector.shape_cast %broadcast_in_dim3A : vector<16x1xi32> to vector<16xi32>
    %gather3A_26 = tpu.dynamic_gather %get3A_4[%gather3A] in [0] : vector<16xi32>, vector<16xi32> -> vector<16xi32>
    %eq3A = arith.constant 1 : i32
    %eq3A_27 = vector.broadcast %eq3A : i32 to vector<16xi32>
    %eq3A_28 = arith.cmpi eq, %shift_right_arithmetic3A_25, %eq3A_27 : vector<16xi32>
    %broadcast_in_dim3A_29 = vector.shape_cast %and3A_23 : vector<16xi32> to vector<16x1xi32>
    %gather3A_30 = vector.shape_cast %broadcast_in_dim3A_29 : vector<16x1xi32> to vector<16xi32>
    %gather3A_31 = tpu.dynamic_gather %get3A_7[%gather3A_30] in [0] : vector<16xi32>, vector<16xi32> -> vector<16xi32>
    %select_n3A = arith.select %eq3A_28, %gather3A_31, %gather3A_26 : vector<16xi1>, vector<16xi32>
    %eq3A_32 = arith.constant 2 : i32
    %eq3A_33 = vector.broadcast %eq3A_32 : i32 to vector<16xi32>
    %eq3A_34 = arith.cmpi eq, %shift_right_arithmetic3A_25, %eq3A_33 : vector<16xi32>
    %broadcast_in_dim3A_35 = vector.shape_cast %and3A_23 : vector<16xi32> to vector<16x1xi32>
    %gather3A_36 = vector.shape_cast %broadcast_in_dim3A_35 : vector<16x1xi32> to vector<16xi32>
    %gather3A_37 = tpu.dynamic_gather %get3A_10[%gather3A_36] in [0] : vector<16xi32>, vector<16xi32> -> vector<16xi32>
    %select_n3A_38 = arith.select %eq3A_34, %gather3A_37, %select_n3A : vector<16xi1>, vector<16xi32>
    %eq3A_39 = arith.constant 3 : i32
    %eq3A_40 = vector.broadcast %eq3A_39 : i32 to vector<16xi32>
    %eq3A_41 = arith.cmpi eq, %shift_right_arithmetic3A_25, %eq3A_40 : vector<16xi32>
    %broadcast_in_dim3A_42 = vector.shape_cast %and3A_23 : vector<16xi32> to vector<16x1xi32>
    %gather3A_43 = vector.shape_cast %broadcast_in_dim3A_42 : vector<16x1xi32> to vector<16xi32>
    %gather3A_44 = tpu.dynamic_gather %get3A_13[%gather3A_43] in [0] : vector<16xi32>, vector<16xi32> -> vector<16xi32>
    %select_n3A_45 = arith.select %eq3A_41, %gather3A_44, %select_n3A_38 : vector<16xi1>, vector<16xi32>
    %add3A_46 = arith.addi %and3A_20, %select_n3A_45 : vector<16xi32>
    %swap3A = arith.constant 0 : index
    %swap3A_47 = tpu.vector_load %arg8[%swap3A] {strides = array<i32>} : memref<128xi32, #tpu.memory_space<vmem>>, vector<16xi32>,
    %swap3A_48 = vector.shape_cast %swap3A_47 : vector<16xi32> to vector<16xi32>
    %swap3A_49 = vector.shape_cast %add3A_46 : vector<16xi32> to vector<16xi32>
    tpu.vector_store %arg8[%swap3A], %swap3A_49 {strides = array<i32>} : memref<128xi32, #tpu.memory_space<vmem>>, vector<16xi32>,
    %get3A_50 = arith.constant 16 : index
    %get3A_51 = tpu.vector_load %arg7[%get3A_50] {strides = array<i32>} : memref<128xi32, #tpu.memory_space<vmem>>, vector<16xi32>,
    %get3A_52 = vector.shape_cast %get3A_51 : vector<16xi32> to vector<16xi32>
    %shift_right_logical3A_53 = arith.constant 12 : i32
    %shift_right_logical3A_54 = vector.broadcast %shift_right_logical3A_53 : i32 to vector<16xi32>
    %shift_right_logical3A_55 = arith.shrui %get3A_52, %shift_right_logical3A_54 : vector<16xi32>
    %and3A_56 = arith.constant 4095 : i32
    %and3A_57 = vector.broadcast %and3A_56 : i32 to vector<16xi32>
    %and3A_58 = arith.andi %get3A_52, %and3A_57 : vector<16xi32>
    %and3A_59 = arith.constant 15 : i32
    %and3A_60 = vector.broadcast %and3A_59 : i32 to vector<16xi32>
    %and3A_61 = arith.andi %shift_right_logical3A_55, %and3A_60 : vector<16xi32>
    %shift_right_arithmetic3A_62 = arith.constant 4 : i32
    %shift_right_arithmetic3A_63 = vector.broadcast %shift_right_arithmetic3A_62 : i32 to vector<16xi32>
    %shift_right_arithmetic3A_64 = arith.shrsi %shift_right_logical3A_55, %shift_right_arithmetic3A_63 : vector<16xi32>
    %broadcast_in_dim3A_65 = vector.shape_cast %and3A_61 : vector<16xi32> to vector<16x1xi32>
    %gather3A_66 = vector.shape_cast %broadcast_in_dim3A_65 : vector<16x1xi32> to vector<16xi32>
    %gather3A_67 = tpu.dynamic_gather %get3A_4[%gather3A_66] in [0] : vector<16xi32>, vector<16xi32> -> vector<16xi32>
    %eq3A_68 = arith.constant 1 : i32
    %eq3A_69 = vector.broadcast %eq3A_68 : i32 to vector<16xi32>
    %eq3A_70 = arith.cmpi eq, %shift_right_arithmetic3A_64, %eq3A_69 : vector<16xi32>
    %broadcast_in_dim3A_71 = vector.shape_cast %and3A_61 : vector<16xi32> to vector<16x1xi32>
    %gather3A_72 = vector.shape_cast %broadcast_in_dim3A_71 : vector<16x1xi32> to vector<16xi32>
    %gather3A_73 = tpu.dynamic_gather %get3A_7[%gather3A_72] in [0] : vector<16xi32>, vector<16xi32> -> vector<16xi32>
    %select_n3A_74 = arith.select %eq3A_70, %gather3A_73, %gather3A_67 : vector<16xi1>, vector<16xi32>
    %eq3A_75 = arith.constant 2 : i32
    %eq3A_76 = vector.broadcast %eq3A_75 : i32 to vector<16xi32>
    %eq3A_77 = arith.cmpi eq, %shift_right_arithmetic3A_64, %eq3A_76 : vector<16xi32>
    %broadcast_in_dim3A_78 = vector.shape_cast %and3A_61 : vector<16xi32> to vector<16x1xi32>
    %gather3A_79 = vector.shape_cast %broadcast_in_dim3A_78 : vector<16x1xi32> to vector<16xi32>
    %gather3A_80 = tpu.dynamic_gather %get3A_10[%gather3A_79] in [0] : vector<16xi32>, vector<16xi32> -> vector<16xi32>
    %select_n3A_81 = arith.select %eq3A_77, %gather3A_80, %select_n3A_74 : vector<16xi1>, vector<16xi32>
    %eq3A_82 = arith.constant 3 : i32
    %eq3A_83 = vector.broadcast %eq3A_82 : i32 to vector<16xi32>
    %eq3A_84 = arith.cmpi eq, %shift_right_arithmetic3A_64, %eq3A_83 : vector<16xi32>
    %broadcast_in_dim3A_85 = vector.shape_cast %and3A_61 : vector<16xi32> to vector<16x1xi32>
    %gather3A_86 = vector.shape_cast %broadcast_in_dim3A_85 : vector<16x1xi32> to vector<16xi32>
    %gather3A_87 = tpu.dynamic_gather %get3A_13[%gather3A_86] in [0] : vector<16xi32>, vector<16xi32> -> vector<16xi32>
    %select_n3A_88 = arith.select %eq3A_84, %gather3A_87, %select_n3A_81 : vector<16xi1>, vector<16xi32>
    %add3A_89 = arith.addi %and3A_58, %select_n3A_88 : vector<16xi32>
    %swap3A_90 = arith.constant 16 : index
    %swap3A_91 = tpu.vector_load %arg8[%swap3A_90] {strides = array<i32>} : memref<128xi32, #tpu.memory_space<vmem>>, vector<16xi32>,
    %swap3A_92 = vector.shape_cast %swap3A_91 : vector<16xi32> to vector<16xi32>
    %swap3A_93 = vector.shape_cast %add3A_89 : vector<16xi32> to vector<16xi32>
    tpu.vector_store %arg8[%swap3A_90], %swap3A_93 {strides = array<i32>} : memref<128xi32, #tpu.memory_space<vmem>>, vector<16xi32>,
    %get3A_94 = arith.constant 32 : index
    %get3A_95 = tpu.vector_load %arg7[%get3A_94] {strides = array<i32>} : memref<128xi32, #tpu.memory_space<vmem>>, vector<16xi32>,
    %get3A_96 = vector.shape_cast %get3A_95 : vector<16xi32> to vector<16xi32>
    %shift_right_logical3A_97 = arith.constant 12 : i32
    %shift_right_logical3A_98 = vector.broadcast %shift_right_logical3A_97 : i32 to vector<16xi32>
    %shift_right_logical3A_99 = arith.shrui %get3A_96, %shift_right_logical3A_98 : vector<16xi32>
    %and3A_100 = arith.constant 4095 : i32
    %and3A_101 = vector.broadcast %and3A_100 : i32 to vector<16xi32>
    %and3A_102 = arith.andi %get3A_96, %and3A_101 : vector<16xi32>
    %and3A_103 = arith.constant 15 : i32
    %and3A_104 = vector.broadcast %and3A_103 : i32 to vector<16xi32>
    %and3A_105 = arith.andi %shift_right_logical3A_99, %and3A_104 : vector<16xi32>
    %shift_right_arithmetic3A_106 = arith.constant 4 : i32
    %shift_right_arithmetic3A_107 = vector.broadcast %shift_right_arithmetic3A_106 : i32 to vector<16xi32>
    %shift_right_arithmetic3A_108 = arith.shrsi %shift_right_logical3A_99, %shift_right_arithmetic3A_107 : vector<16xi32>
    %broadcast_in_dim3A_109 = vector.shape_cast %and3A_105 : vector<16xi32> to vector<16x1xi32>
    %gather3A_110 = vector.shape_cast %broadcast_in_dim3A_109 : vector<16x1xi32> to vector<16xi32>
    %gather3A_111 = tpu.dynamic_gather %get3A_4[%gather3A_110] in [0] : vector<16xi32>, vector<16xi32> -> vector<16xi32>
    %eq3A_112 = arith.constant 1 : i32
    %eq3A_113 = vector.broadcast %eq3A_112 : i32 to vector<16xi32>
    %eq3A_114 = arith.cmpi eq, %shift_right_arithmetic3A_108, %eq3A_113 : vector<16xi32>
    %broadcast_in_dim3A_115 = vector.shape_cast %and3A_105 : vector<16xi32> to vector<16x1xi32>
    %gather3A_116 = vector.shape_cast %broadcast_in_dim3A_115 : vector<16x1xi32> to vector<16xi32>
    %gather3A_117 = tpu.dynamic_gather %get3A_7[%gather3A_116] in [0] : vector<16xi32>, vector<16xi32> -> vector<16xi32>
    %select_n3A_118 = arith.select %eq3A_114, %gather3A_117, %gather3A_111 : vector<16xi1>, vector<16xi32>
    %eq3A_119 = arith.constant 2 : i32
    %eq3A_120 = vector.broadcast %eq3A_119 : i32 to vector<16xi32>
    %eq3A_121 = arith.cmpi eq, %shift_right_arithmetic3A_108, %eq3A_120 : vector<16xi32>
    %broadcast_in_dim3A_122 = vector.shape_cast %and3A_105 : vector<16xi32> to vector<16x1xi32>
    %gather3A_123 = vector.shape_cast %broadcast_in_dim3A_122 : vector<16x1xi32> to vector<16xi32>
    %gather3A_124 = tpu.dynamic_gather %get3A_10[%gather3A_123] in [0] : vector<16xi32>, vector<16xi32> -> vector<16xi32>
    %select_n3A_125 = arith.select %eq3A_121, %gather3A_124, %select_n3A_118 : vector<16xi1>, vector<16xi32>
    %eq3A_126 = arith.constant 3 : i32
    %eq3A_127 = vector.broadcast %eq3A_126 : i32 to vector<16xi32>
    %eq3A_128 = arith.cmpi eq, %shift_right_arithmetic3A_108, %eq3A_127 : vector<16xi32>
    %broadcast_in_dim3A_129 = vector.shape_cast %and3A_105 : vector<16xi32> to vector<16x1xi32>
    %gather3A_130 = vector.shape_cast %broadcast_in_dim3A_129 : vector<16x1xi32> to vector<16xi32>
    %gather3A_131 = tpu.dynamic_gather %get3A_13[%gather3A_130] in [0] : vector<16xi32>, vector<16xi32> -> vector<16xi32>
    %select_n3A_132 = arith.select %eq3A_128, %gather3A_131, %select_n3A_125 : vector<16xi1>, vector<16xi32>
    %add3A_133 = arith.addi %and3A_102, %select_n3A_132 : vector<16xi32>
    %swap3A_134 = arith.constant 32 : index
    %swap3A_135 = tpu.vector_load %arg8[%swap3A_134] {strides = array<i32>} : memref<128xi32, #tpu.memory_space<vmem>>, vector<16xi32>,
    %swap3A_136 = vector.shape_cast %swap3A_135 : vector<16xi32> to vector<16xi32>
    %swap3A_137 = vector.shape_cast %add3A_133 : vector<16xi32> to vector<16xi32>
    tpu.vector_store %arg8[%swap3A_134], %swap3A_137 {strides = array<i32>} : memref<128xi32, #tpu.memory_space<vmem>>, vector<16xi32>,
    %get3A_138 = arith.constant 48 : index
    %get3A_139 = tpu.vector_load %arg7[%get3A_138] {strides = array<i32>} : memref<128xi32, #tpu.memory_space<vmem>>, vector<16xi32>,
    %get3A_140 = vector.shape_cast %get3A_139 : vector<16xi32> to vector<16xi32>
    %shift_right_logical3A_141 = arith.constant 12 : i32
    %shift_right_logical3A_142 = vector.broadcast %shift_right_logical3A_141 : i32 to vector<16xi32>
    %shift_right_logical3A_143 = arith.shrui %get3A_140, %shift_right_logical3A_142 : vector<16xi32>
    %and3A_144 = arith.constant 4095 : i32
    %and3A_145 = vector.broadcast %and3A_144 : i32 to vector<16xi32>
    %and3A_146 = arith.andi %get3A_140, %and3A_145 : vector<16xi32>
    %and3A_147 = arith.constant 15 : i32
    %and3A_148 = vector.broadcast %and3A_147 : i32 to vector<16xi32>
    %and3A_149 = arith.andi %shift_right_logical3A_143, %and3A_148 : vector<16xi32>
    %shift_right_arithmetic3A_150 = arith.constant 4 : i32
    %shift_right_arithmetic3A_151 = vector.broadcast %shift_right_arithmetic3A_150 : i32 to vector<16xi32>
    %shift_right_arithmetic3A_152 = arith.shrsi %shift_right_logical3A_143, %shift_right_arithmetic3A_151 : vector<16xi32>
    %broadcast_in_dim3A_153 = vector.shape_cast %and3A_149 : vector<16xi32> to vector<16x1xi32>
    %gather3A_154 = vector.shape_cast %broadcast_in_dim3A_153 : vector<16x1xi32> to vector<16xi32>
    %gather3A_155 = tpu.dynamic_gather %get3A_4[%gather3A_154] in [0] : vector<16xi32>, vector<16xi32> -> vector<16xi32>
    %eq3A_156 = arith.constant 1 : i32
    %eq3A_157 = vector.broadcast %eq3A_156 : i32 to vector<16xi32>
    %eq3A_158 = arith.cmpi eq, %shift_right_arithmetic3A_152, %eq3A_157 : vector<16xi32>
    %broadcast_in_dim3A_159 = vector.shape_cast %and3A_149 : vector<16xi32> to vector<16x1xi32>
    %gather3A_160 = vector.shape_cast %broadcast_in_dim3A_159 : vector<16x1xi32> to vector<16xi32>
    %gather3A_161 = tpu.dynamic_gather %get3A_7[%gather3A_160] in [0] : vector<16xi32>, vector<16xi32> -> vector<16xi32>
    %select_n3A_162 = arith.select %eq3A_158, %gather3A_161, %gather3A_155 : vector<16xi1>, vector<16xi32>
    %eq3A_163 = arith.constant 2 : i32
    %eq3A_164 = vector.broadcast %eq3A_163 : i32 to vector<16xi32>
    %eq3A_165 = arith.cmpi eq, %shift_right_arithmetic3A_152, %eq3A_164 : vector<16xi32>
    %broadcast_in_dim3A_166 = vector.shape_cast %and3A_149 : vector<16xi32> to vector<16x1xi32>
    %gather3A_167 = vector.shape_cast %broadcast_in_dim3A_166 : vector<16x1xi32> to vector<16xi32>
    %gather3A_168 = tpu.dynamic_gather %get3A_10[%gather3A_167] in [0] : vector<16xi32>, vector<16xi32> -> vector<16xi32>
    %select_n3A_169 = arith.select %eq3A_165, %gather3A_168, %select_n3A_162 : vector<16xi1>, vector<16xi32>
    %eq3A_170 = arith.constant 3 : i32
    %eq3A_171 = vector.broadcast %eq3A_170 : i32 to vector<16xi32>
    %eq3A_172 = arith.cmpi eq, %shift_right_arithmetic3A_152, %eq3A_171 : vector<16xi32>
    %broadcast_in_dim3A_173 = vector.shape_cast %and3A_149 : vector<16xi32> to vector<16x1xi32>
    %gather3A_174 = vector.shape_cast %broadcast_in_dim3A_173 : vector<16x1xi32> to vector<16xi32>
    %gather3A_175 = tpu.dynamic_gather %get3A_13[%gather3A_174] in [0] : vector<16xi32>, vector<16xi32> -> vector<16xi32>
    %select_n3A_176 = arith.select %eq3A_172, %gather3A_175, %select_n3A_169 : vector<16xi1>, vector<16xi32>
    %add3A_177 = arith.addi %and3A_146, %select_n3A_176 : vector<16xi32>
    %swap3A_178 = arith.constant 48 : index
    %swap3A_179 = tpu.vector_load %arg8[%swap3A_178] {strides = array<i32>} : memref<128xi32, #tpu.memory_space<vmem>>, vector<16xi32>,
    %swap3A_180 = vector.shape_cast %swap3A_179 : vector<16xi32> to vector<16xi32>
    %swap3A_181 = vector.shape_cast %add3A_177 : vector<16xi32> to vector<16xi32>
    tpu.vector_store %arg8[%swap3A_178], %swap3A_181 {strides = array<i32>} : memref<128xi32, #tpu.memory_space<vmem>>, vector<16xi32>,
    %get3A_182 = arith.constant 64 : index
    %get3A_183 = tpu.vector_load %arg7[%get3A_182] {strides = array<i32>} : memref<128xi32, #tpu.memory_space<vmem>>, vector<16xi32>,
    %get3A_184 = vector.shape_cast %get3A_183 : vector<16xi32> to vector<16xi32>
    %shift_right_logical3A_185 = arith.constant 12 : i32
    %shift_right_logical3A_186 = vector.broadcast %shift_right_logical3A_185 : i32 to vector<16xi32>
    %shift_right_logical3A_187 = arith.shrui %get3A_184, %shift_right_logical3A_186 : vector<16xi32>
    %and3A_188 = arith.constant 4095 : i32
    %and3A_189 = vector.broadcast %and3A_188 : i32 to vector<16xi32>
    %and3A_190 = arith.andi %get3A_184, %and3A_189 : vector<16xi32>
    %and3A_191 = arith.constant 15 : i32
    %and3A_192 = vector.broadcast %and3A_191 : i32 to vector<16xi32>
    %and3A_193 = arith.andi %shift_right_logical3A_187, %and3A_192 : vector<16xi32>
    %shift_right_arithmetic3A_194 = arith.constant 4 : i32
    %shift_right_arithmetic3A_195 = vector.broadcast %shift_right_arithmetic3A_194 : i32 to vector<16xi32>
    %shift_right_arithmetic3A_196 = arith.shrsi %shift_right_logical3A_187, %shift_right_arithmetic3A_195 : vector<16xi32>
    %broadcast_in_dim3A_197 = vector.shape_cast %and3A_193 : vector<16xi32> to vector<16x1xi32>
    %gather3A_198 = vector.shape_cast %broadcast_in_dim3A_197 : vector<16x1xi32> to vector<16xi32>
    %gather3A_199 = tpu.dynamic_gather %get3A_4[%gather3A_198] in [0] : vector<16xi32>, vector<16xi32> -> vector<16xi32>
    %eq3A_200 = arith.constant 1 : i32
    %eq3A_201 = vector.broadcast %eq3A_200 : i32 to vector<16xi32>
    %eq3A_202 = arith.cmpi eq, %shift_right_arithmetic3A_196, %eq3A_201 : vector<16xi32>
    %broadcast_in_dim3A_203 = vector.shape_cast %and3A_193 : vector<16xi32> to vector<16x1xi32>
    %gather3A_204 = vector.shape_cast %broadcast_in_dim3A_203 : vector<16x1xi32> to vector<16xi32>
    %gather3A_205 = tpu.dynamic_gather %get3A_7[%gather3A_204] in [0] : vector<16xi32>, vector<16xi32> -> vector<16xi32>
    %select_n3A_206 = arith.select %eq3A_202, %gather3A_205, %gather3A_199 : vector<16xi1>, vector<16xi32>
    %eq3A_207 = arith.constant 2 : i32
    %eq3A_208 = vector.broadcast %eq3A_207 : i32 to vector<16xi32>
    %eq3A_209 = arith.cmpi eq, %shift_right_arithmetic3A_196, %eq3A_208 : vector<16xi32>
    %broadcast_in_dim3A_210 = vector.shape_cast %and3A_193 : vector<16xi32> to vector<16x1xi32>
    %gather3A_211 = vector.shape_cast %broadcast_in_dim3A_210 : vector<16x1xi32> to vector<16xi32>
    %gather3A_212 = tpu.dynamic_gather %get3A_10[%gather3A_211] in [0] : vector<16xi32>, vector<16xi32> -> vector<16xi32>
    %select_n3A_213 = arith.select %eq3A_209, %gather3A_212, %select_n3A_206 : vector<16xi1>, vector<16xi32>
    %eq3A_214 = arith.constant 3 : i32
    %eq3A_215 = vector.broadcast %eq3A_214 : i32 to vector<16xi32>
    %eq3A_216 = arith.cmpi eq, %shift_right_arithmetic3A_196, %eq3A_215 : vector<16xi32>
    %broadcast_in_dim3A_217 = vector.shape_cast %and3A_193 : vector<16xi32> to vector<16x1xi32>
    %gather3A_218 = vector.shape_cast %broadcast_in_dim3A_217 : vector<16x1xi32> to vector<16xi32>
    %gather3A_219 = tpu.dynamic_gather %get3A_13[%gather3A_218] in [0] : vector<16xi32>, vector<16xi32> -> vector<16xi32>
    %select_n3A_220 = arith.select %eq3A_216, %gather3A_219, %select_n3A_213 : vector<16xi1>, vector<16xi32>
    %add3A_221 = arith.addi %and3A_190, %select_n3A_220 : vector<16xi32>
    %swap3A_222 = arith.constant 64 : index
    %swap3A_223 = tpu.vector_load %arg8[%swap3A_222] {strides = array<i32>} : memref<128xi32, #tpu.memory_space<vmem>>, vector<16xi32>,
    %swap3A_224 = vector.shape_cast %swap3A_223 : vector<16xi32> to vector<16xi32>
    %swap3A_225 = vector.shape_cast %add3A_221 : vector<16xi32> to vector<16xi32>
    tpu.vector_store %arg8[%swap3A_222], %swap3A_225 {strides = array<i32>} : memref<128xi32, #tpu.memory_space<vmem>>, vector<16xi32>,
    %get3A_226 = arith.constant 80 : index
    %get3A_227 = tpu.vector_load %arg7[%get3A_226] {strides = array<i32>} : memref<128xi32, #tpu.memory_space<vmem>>, vector<16xi32>,
    %get3A_228 = vector.shape_cast %get3A_227 : vector<16xi32> to vector<16xi32>
    %shift_right_logical3A_229 = arith.constant 12 : i32
    %shift_right_logical3A_230 = vector.broadcast %shift_right_logical3A_229 : i32 to vector<16xi32>
    %shift_right_logical3A_231 = arith.shrui %get3A_228, %shift_right_logical3A_230 : vector<16xi32>
    %and3A_232 = arith.constant 4095 : i32
    %and3A_233 = vector.broadcast %and3A_232 : i32 to vector<16xi32>
    %and3A_234 = arith.andi %get3A_228, %and3A_233 : vector<16xi32>
    %and3A_235 = arith.constant 15 : i32
    %and3A_236 = vector.broadcast %and3A_235 : i32 to vector<16xi32>
    %and3A_237 = arith.andi %shift_right_logical3A_231, %and3A_236 : vector<16xi32>
    %shift_right_arithmetic3A_238 = arith.constant 4 : i32
    %shift_right_arithmetic3A_239 = vector.broadcast %shift_right_arithmetic3A_238 : i32 to vector<16xi32>
    %shift_right_arithmetic3A_240 = arith.shrsi %shift_right_logical3A_231, %shift_right_arithmetic3A_239 : vector<16xi32>
    %broadcast_in_dim3A_241 = vector.shape_cast %and3A_237 : vector<16xi32> to vector<16x1xi32>
    %gather3A_242 = vector.shape_cast %broadcast_in_dim3A_241 : vector<16x1xi32> to vector<16xi32>
    %gather3A_243 = tpu.dynamic_gather %get3A_4[%gather3A_242] in [0] : vector<16xi32>, vector<16xi32> -> vector<16xi32>
    %eq3A_244 = arith.constant 1 : i32
    %eq3A_245 = vector.broadcast %eq3A_244 : i32 to vector<16xi32>
    %eq3A_246 = arith.cmpi eq, %shift_right_arithmetic3A_240, %eq3A_245 : vector<16xi32>
    %broadcast_in_dim3A_247 = vector.shape_cast %and3A_237 : vector<16xi32> to vector<16x1xi32>
    %gather3A_248 = vector.shape_cast %broadcast_in_dim3A_247 : vector<16x1xi32> to vector<16xi32>
    %gather3A_249 = tpu.dynamic_gather %get3A_7[%gather3A_248] in [0] : vector<16xi32>, vector<16xi32> -> vector<16xi32>
    %select_n3A_250 = arith.select %eq3A_246, %gather3A_249, %gather3A_243 : vector<16xi1>, vector<16xi32>
    %eq3A_251 = arith.constant 2 : i32
    %eq3A_252 = vector.broadcast %eq3A_251 : i32 to vector<16xi32>
    %eq3A_253 = arith.cmpi eq, %shift_right_arithmetic3A_240, %eq3A_252 : vector<16xi32>
    %broadcast_in_dim3A_254 = vector.shape_cast %and3A_237 : vector<16xi32> to vector<16x1xi32>
    %gather3A_255 = vector.shape_cast %broadcast_in_dim3A_254 : vector<16x1xi32> to vector<16xi32>
    %gather3A_256 = tpu.dynamic_gather %get3A_10[%gather3A_255] in [0] : vector<16xi32>, vector<16xi32> -> vector<16xi32>
    %select_n3A_257 = arith.select %eq3A_253, %gather3A_256, %select_n3A_250 : vector<16xi1>, vector<16xi32>
    %eq3A_258 = arith.constant 3 : i32
    %eq3A_259 = vector.broadcast %eq3A_258 : i32 to vector<16xi32>
    %eq3A_260 = arith.cmpi eq, %shift_right_arithmetic3A_240, %eq3A_259 : vector<16xi32>
    %broadcast_in_dim3A_261 = vector.shape_cast %and3A_237 : vector<16xi32> to vector<16x1xi32>
    %gather3A_262 = vector.shape_cast %broadcast_in_dim3A_261 : vector<16x1xi32> to vector<16xi32>
    %gather3A_263 = tpu.dynamic_gather %get3A_13[%gather3A_262] in [0] : vector<16xi32>, vector<16xi32> -> vector<16xi32>
    %select_n3A_264 = arith.select %eq3A_260, %gather3A_263, %select_n3A_257 : vector<16xi1>, vector<16xi32>
    %add3A_265 = arith.addi %and3A_234, %select_n3A_264 : vector<16xi32>
    %swap3A_266 = arith.constant 80 : index
    %swap3A_267 = tpu.vector_load %arg8[%swap3A_266] {strides = array<i32>} : memref<128xi32, #tpu.memory_space<vmem>>, vector<16xi32>,
    %swap3A_268 = vector.shape_cast %swap3A_267 : vector<16xi32> to vector<16xi32>
    %swap3A_269 = vector.shape_cast %add3A_265 : vector<16xi32> to vector<16xi32>
    tpu.vector_store %arg8[%swap3A_266], %swap3A_269 {strides = array<i32>} : memref<128xi32, #tpu.memory_space<vmem>>, vector<16xi32>,
    %get3A_270 = arith.constant 96 : index
    %get3A_271 = tpu.vector_load %arg7[%get3A_270] {strides = array<i32>} : memref<128xi32, #tpu.memory_space<vmem>>, vector<16xi32>,
    %get3A_272 = vector.shape_cast %get3A_271 : vector<16xi32> to vector<16xi32>
    %shift_right_logical3A_273 = arith.constant 12 : i32
    %shift_right_logical3A_274 = vector.broadcast %shift_right_logical3A_273 : i32 to vector<16xi32>
    %shift_right_logical3A_275 = arith.shrui %get3A_272, %shift_right_logical3A_274 : vector<16xi32>
    %and3A_276 = arith.constant 4095 : i32
    %and3A_277 = vector.broadcast %and3A_276 : i32 to vector<16xi32>
    %and3A_278 = arith.andi %get3A_272, %and3A_277 : vector<16xi32>
    %and3A_279 = arith.constant 15 : i32
    %and3A_280 = vector.broadcast %and3A_279 : i32 to vector<16xi32>
    %and3A_281 = arith.andi %shift_right_logical3A_275, %and3A_280 : vector<16xi32>
    %shift_right_arithmetic3A_282 = arith.constant 4 : i32
    %shift_right_arithmetic3A_283 = vector.broadcast %shift_right_arithmetic3A_282 : i32 to vector<16xi32>
    %shift_right_arithmetic3A_284 = arith.shrsi %shift_right_logical3A_275, %shift_right_arithmetic3A_283 : vector<16xi32>
    %broadcast_in_dim3A_285 = vector.shape_cast %and3A_281 : vector<16xi32> to vector<16x1xi32>
    %gather3A_286 = vector.shape_cast %broadcast_in_dim3A_285 : vector<16x1xi32> to vector<16xi32>
    %gather3A_287 = tpu.dynamic_gather %get3A_4[%gather3A_286] in [0] : vector<16xi32>, vector<16xi32> -> vector<16xi32>
    %eq3A_288 = arith.constant 1 : i32
    %eq3A_289 = vector.broadcast %eq3A_288 : i32 to vector<16xi32>
    %eq3A_290 = arith.cmpi eq, %shift_right_arithmetic3A_284, %eq3A_289 : vector<16xi32>
    %broadcast_in_dim3A_291 = vector.shape_cast %and3A_281 : vector<16xi32> to vector<16x1xi32>
    %gather3A_292 = vector.shape_cast %broadcast_in_dim3A_291 : vector<16x1xi32> to vector<16xi32>
    %gather3A_293 = tpu.dynamic_gather %get3A_7[%gather3A_292] in [0] : vector<16xi32>, vector<16xi32> -> vector<16xi32>
    %select_n3A_294 = arith.select %eq3A_290, %gather3A_293, %gather3A_287 : vector<16xi1>, vector<16xi32>
    %eq3A_295 = arith.constant 2 : i32
    %eq3A_296 = vector.broadcast %eq3A_295 : i32 to vector<16xi32>
    %eq3A_297 = arith.cmpi eq, %shift_right_arithmetic3A_284, %eq3A_296 : vector<16xi32>
    %broadcast_in_dim3A_298 = vector.shape_cast %and3A_281 : vector<16xi32> to vector<16x1xi32>
    %gather3A_299 = vector.shape_cast %broadcast_in_dim3A_298 : vector<16x1xi32> to vector<16xi32>
    %gather3A_300 = tpu.dynamic_gather %get3A_10[%gather3A_299] in [0] : vector<16xi32>, vector<16xi32> -> vector<16xi32>
    %select_n3A_301 = arith.select %eq3A_297, %gather3A_300, %select_n3A_294 : vector<16xi1>, vector<16xi32>
    %eq3A_302 = arith.constant 3 : i32
    %eq3A_303 = vector.broadcast %eq3A_302 : i32 to vector<16xi32>
    %eq3A_304 = arith.cmpi eq, %shift_right_arithmetic3A_284, %eq3A_303 : vector<16xi32>
    %broadcast_in_dim3A_305 = vector.shape_cast %and3A_281 : vector<16xi32> to vector<16x1xi32>
    %gather3A_306 = vector.shape_cast %broadcast_in_dim3A_305 : vector<16x1xi32> to vector<16xi32>
    %gather3A_307 = tpu.dynamic_gather %get3A_13[%gather3A_306] in [0] : vector<16xi32>, vector<16xi32> -> vector<16xi32>
    %select_n3A_308 = arith.select %eq3A_304, %gather3A_307, %select_n3A_301 : vector<16xi1>, vector<16xi32>
    %add3A_309 = arith.addi %and3A_278, %select_n3A_308 : vector<16xi32>
    %swap3A_310 = arith.constant 96 : index
    %swap3A_311 = tpu.vector_load %arg8[%swap3A_310] {strides = array<i32>} : memref<128xi32, #tpu.memory_space<vmem>>, vector<16xi32>,
    %swap3A_312 = vector.shape_cast %swap3A_311 : vector<16xi32> to vector<16xi32>
    %swap3A_313 = vector.shape_cast %add3A_309 : vector<16xi32> to vector<16xi32>
    tpu.vector_store %arg8[%swap3A_310], %swap3A_313 {strides = array<i32>} : memref<128xi32, #tpu.memory_space<vmem>>, vector<16xi32>,
    %get3A_314 = arith.constant 112 : index
    %get3A_315 = tpu.vector_load %arg7[%get3A_314] {strides = array<i32>} : memref<128xi32, #tpu.memory_space<vmem>>, vector<16xi32>,
    %get3A_316 = vector.shape_cast %get3A_315 : vector<16xi32> to vector<16xi32>
    %shift_right_logical3A_317 = arith.constant 12 : i32
    %shift_right_logical3A_318 = vector.broadcast %shift_right_logical3A_317 : i32 to vector<16xi32>
    %shift_right_logical3A_319 = arith.shrui %get3A_316, %shift_right_logical3A_318 : vector<16xi32>
    %and3A_320 = arith.constant 4095 : i32
    %and3A_321 = vector.broadcast %and3A_320 : i32 to vector<16xi32>
    %and3A_322 = arith.andi %get3A_316, %and3A_321 : vector<16xi32>
    %and3A_323 = arith.constant 15 : i32
    %and3A_324 = vector.broadcast %and3A_323 : i32 to vector<16xi32>
    %and3A_325 = arith.andi %shift_right_logical3A_319, %and3A_324 : vector<16xi32>
    %shift_right_arithmetic3A_326 = arith.constant 4 : i32
    %shift_right_arithmetic3A_327 = vector.broadcast %shift_right_arithmetic3A_326 : i32 to vector<16xi32>
    %shift_right_arithmetic3A_328 = arith.shrsi %shift_right_logical3A_319, %shift_right_arithmetic3A_327 : vector<16xi32>
    %broadcast_in_dim3A_329 = vector.shape_cast %and3A_325 : vector<16xi32> to vector<16x1xi32>
    %gather3A_330 = vector.shape_cast %broadcast_in_dim3A_329 : vector<16x1xi32> to vector<16xi32>
    %gather3A_331 = tpu.dynamic_gather %get3A_4[%gather3A_330] in [0] : vector<16xi32>, vector<16xi32> -> vector<16xi32>
    %eq3A_332 = arith.constant 1 : i32
    %eq3A_333 = vector.broadcast %eq3A_332 : i32 to vector<16xi32>
    %eq3A_334 = arith.cmpi eq, %shift_right_arithmetic3A_328, %eq3A_333 : vector<16xi32>
    %broadcast_in_dim3A_335 = vector.shape_cast %and3A_325 : vector<16xi32> to vector<16x1xi32>
    %gather3A_336 = vector.shape_cast %broadcast_in_dim3A_335 : vector<16x1xi32> to vector<16xi32>
    %gather3A_337 = tpu.dynamic_gather %get3A_7[%gather3A_336] in [0] : vector<16xi32>, vector<16xi32> -> vector<16xi32>
    %select_n3A_338 = arith.select %eq3A_334, %gather3A_337, %gather3A_331 : vector<16xi1>, vector<16xi32>
    %eq3A_339 = arith.constant 2 : i32
    %eq3A_340 = vector.broadcast %eq3A_339 : i32 to vector<16xi32>
    %eq3A_341 = arith.cmpi eq, %shift_right_arithmetic3A_328, %eq3A_340 : vector<16xi32>
    %broadcast_in_dim3A_342 = vector.shape_cast %and3A_325 : vector<16xi32> to vector<16x1xi32>
    %gather3A_343 = vector.shape_cast %broadcast_in_dim3A_342 : vector<16x1xi32> to vector<16xi32>
    %gather3A_344 = tpu.dynamic_gather %get3A_10[%gather3A_343] in [0] : vector<16xi32>, vector<16xi32> -> vector<16xi32>
    %select_n3A_345 = arith.select %eq3A_341, %gather3A_344, %select_n3A_338 : vector<16xi1>, vector<16xi32>
    %eq3A_346 = arith.constant 3 : i32
    %eq3A_347 = vector.broadcast %eq3A_346 : i32 to vector<16xi32>
    %eq3A_348 = arith.cmpi eq, %shift_right_arithmetic3A_328, %eq3A_347 : vector<16xi32>
    %broadcast_in_dim3A_349 = vector.shape_cast %and3A_325 : vector<16xi32> to vector<16x1xi32>
    %gather3A_350 = vector.shape_cast %broadcast_in_dim3A_349 : vector<16x1xi32> to vector<16xi32>
    %gather3A_351 = tpu.dynamic_gather %get3A_13[%gather3A_350] in [0] : vector<16xi32>, vector<16xi32> -> vector<16xi32>
    %select_n3A_352 = arith.select %eq3A_348, %gather3A_351, %select_n3A_345 : vector<16xi1>, vector<16xi32>
    %add3A_353 = arith.addi %and3A_322, %select_n3A_352 : vector<16xi32>
    %swap3A_354 = arith.constant 112 : index
    %swap3A_355 = tpu.vector_load %arg8[%swap3A_354] {strides = array<i32>} : memref<128xi32, #tpu.memory_space<vmem>>, vector<16xi32>,
    %swap3A_356 = vector.shape_cast %swap3A_355 : vector<16xi32> to vector<16xi32>
    %swap3A_357 = vector.shape_cast %add3A_353 : vector<16xi32> to vector<16xi32>
    tpu.vector_store %arg8[%swap3A_354], %swap3A_357 {strides = array<i32>} : memref<128xi32, #tpu.memory_space<vmem>>, vector<16xi32>,
    %dma_start3A = arith.constant 0 : i32
    %dma_start3A_358 = arith.constant 0 : i32
    %dma_start3A_359 = tpu.memref_slice %arg5[%dma_start3A, %dma_start3A_358] : memref<8192x512xi32, #tpu.memory_space<hbm>> -> memref<8192x512xi32, #tpu.memory_space<hbm>>
    tpu.enqueue_indirect_dma source(%arg10 : memref<128x512xi32, #tpu.memory_space<vmem>>) target(%dma_start3A_359 : memref<8192x512xi32, #tpu.memory_space<hbm>>) offsets(%arg8 : memref<128xi32, #tpu.memory_space<vmem>>) semaphore(%arg11 : memref<!tpu.dma_semaphore, #tpu.memory_space<semaphore_mem>>)
    %dma_wait3A = arith.constant 0 : i32
    %dma_wait3A_360 = arith.constant 0 : i32
    %dma_wait3A_361 = tpu.memref_slice %arg5[%dma_wait3A, %dma_wait3A_360] : memref<8192x512xi32, #tpu.memory_space<hbm>> -> memref<8192x512xi32, #tpu.memory_space<hbm>>
    tpu.wait_indirect_dma semaphore(%arg11 : memref<!tpu.dma_semaphore, #tpu.memory_space<semaphore_mem>>) src(%arg10 : memref<128x512xi32, #tpu.memory_space<vmem>>) dst(%dma_wait3A_361 : memref<8192x512xi32, #tpu.memory_space<hbm>>)
    "tpu.region"() ({
      %run_scoped3A_362 = tpu.sem_alloc : memref<!tpu.dma_semaphore, #tpu.memory_space<semaphore_mem>>
      %dma_start3A_363 = tpu.memref_slice %arg6[%mul3A_2] : memref<4096xi32, #tpu.memory_space<hbm>> -> memref<128xi32, #tpu.memory_space<hbm>>
      %dma_start3A_364 = tpu.memref_slice %arg6[%mul3A_2] : memref<4096xi32, #tpu.memory_space<hbm>> -> memref<128xi32, #tpu.memory_space<hbm>>
      tpu.enqueue_dma source(%arg8 : memref<128xi32, #tpu.memory_space<vmem>>) target(%dma_start3A_364 : memref<128xi32, #tpu.memory_space<hbm>>) target_semaphore(%run_scoped3A_362 : memref<!tpu.dma_semaphore, #tpu.memory_space<semaphore_mem>>)
      %dma_wait3A_365 = tpu.memref_slice %arg6[%mul3A_2] : memref<4096xi32, #tpu.memory_space<hbm>> -> memref<128xi32, #tpu.memory_space<hbm>>
      %dma_wait3A_366 = tpu.memref_slice %arg6[%mul3A_2] : memref<4096xi32, #tpu.memory_space<hbm>> -> memref<128xi32, #tpu.memory_space<hbm>>
      tpu.wait_dma2 semaphore(%run_scoped3A_362 : memref<!tpu.dma_semaphore, #tpu.memory_space<semaphore_mem>>) src(%arg8 : memref<128xi32, #tpu.memory_space<vmem>>) dst(%dma_wait3A_366 : memref<128xi32, #tpu.memory_space<hbm>>)
      tpu.yield
    }) : () -> ()
    return
  }
}

#map = affine_map<(d0, d1) -> (0, 0)>
#map1 = affine_map<(d0, d1) -> (0)>
module attributes {stable_mosaic.version = 14 : i64} {
  func.func @k(%arg0: i32, %arg1: i32, %arg2: memref<8192x768xf32, #tpu.memory_space<hbm>>, %arg3: memref<4096xi32, #tpu.memory_space<hbm>>, %arg4: memref<4096x768xf32, #tpu.memory_space<hbm>>, %arg5: memref<128xi32, #tpu.memory_space<vmem>>, %arg6: memref<128x768xf32, #tpu.memory_space<vmem>>, %arg7: memref<!tpu.dma_semaphore, #tpu.memory_space<semaphore_mem>>) attributes {dimension_semantics = [#tpu.dimension_semantics<core_parallel>, #tpu.dimension_semantics<subcore_parallel>], iteration_bounds = array<i64: 2, 16>, scalar_prefetch = 0 : i64, scratch_operands = 3 : i64, tpu.core_type = #tpu.core_type<sc_vector_subcore>, window_params = [{transform_indices = #map}, {transform_indices = #map1}, {transform_indices = #map}]} {
    %mul3A = arith.constant 2 : i32
    %mul3A_0 = arith.muli %arg1, %mul3A : i32
    %add3A = arith.addi %mul3A_0, %arg0 : i32
    %mul3A_1 = arith.constant 128 : i32
    %mul3A_2 = arith.muli %add3A, %mul3A_1 : i32
    "tpu.region"() ({
      %run_scoped3A = tpu.sem_alloc : memref<!tpu.dma_semaphore, #tpu.memory_space<semaphore_mem>>
      %dma_start3A_7 = tpu.memref_slice %arg3[%mul3A_2] : memref<4096xi32, #tpu.memory_space<hbm>> -> memref<128xi32, #tpu.memory_space<hbm>>
      %dma_start3A_8 = tpu.memref_slice %arg3[%mul3A_2] : memref<4096xi32, #tpu.memory_space<hbm>> -> memref<128xi32, #tpu.memory_space<hbm>>
      tpu.enqueue_dma source(%dma_start3A_8 : memref<128xi32, #tpu.memory_space<hbm>>) target(%arg5 : memref<128xi32, #tpu.memory_space<vmem>>) target_semaphore(%run_scoped3A : memref<!tpu.dma_semaphore, #tpu.memory_space<semaphore_mem>>)
      %dma_wait3A_9 = tpu.memref_slice %arg3[%mul3A_2] : memref<4096xi32, #tpu.memory_space<hbm>> -> memref<128xi32, #tpu.memory_space<hbm>>
      %dma_wait3A_10 = tpu.memref_slice %arg3[%mul3A_2] : memref<4096xi32, #tpu.memory_space<hbm>> -> memref<128xi32, #tpu.memory_space<hbm>>
      tpu.wait_dma2 semaphore(%run_scoped3A : memref<!tpu.dma_semaphore, #tpu.memory_space<semaphore_mem>>) src(%dma_wait3A_10 : memref<128xi32, #tpu.memory_space<hbm>>) dst(%arg5 : memref<128xi32, #tpu.memory_space<vmem>>)
      tpu.yield
    }) : () -> ()
    %dma_start3A = arith.constant 0 : i32
    %dma_start3A_3 = arith.constant 0 : i32
    %dma_start3A_4 = tpu.memref_slice %arg2[%dma_start3A, %dma_start3A_3] : memref<8192x768xf32, #tpu.memory_space<hbm>> -> memref<8192x768xf32, #tpu.memory_space<hbm>>
    tpu.enqueue_indirect_dma source(%dma_start3A_4 : memref<8192x768xf32, #tpu.memory_space<hbm>>) target(%arg6 : memref<128x768xf32, #tpu.memory_space<vmem>>) offsets(%arg5 : memref<128xi32, #tpu.memory_space<vmem>>) semaphore(%arg7 : memref<!tpu.dma_semaphore, #tpu.memory_space<semaphore_mem>>)
    %dma_wait3A = arith.constant 0 : i32
    %dma_wait3A_5 = arith.constant 0 : i32
    %dma_wait3A_6 = tpu.memref_slice %arg2[%dma_wait3A, %dma_wait3A_5] : memref<8192x768xf32, #tpu.memory_space<hbm>> -> memref<8192x768xf32, #tpu.memory_space<hbm>>
    tpu.wait_indirect_dma semaphore(%arg7 : memref<!tpu.dma_semaphore, #tpu.memory_space<semaphore_mem>>) src(%dma_wait3A_6 : memref<8192x768xf32, #tpu.memory_space<hbm>>) dst(%arg6 : memref<128x768xf32, #tpu.memory_space<vmem>>)
    "tpu.region"() ({
      %run_scoped3A = tpu.sem_alloc : memref<!tpu.dma_semaphore, #tpu.memory_space<semaphore_mem>>
      %dma_start3A_7 = arith.constant 0 : i32
      %dma_start3A_8 = tpu.memref_slice %arg4[%mul3A_2, %dma_start3A_7] : memref<4096x768xf32, #tpu.memory_space<hbm>> -> memref<128x768xf32, #tpu.memory_space<hbm>>
      %dma_start3A_9 = arith.constant 0 : i32
      %dma_start3A_10 = tpu.memref_slice %arg4[%mul3A_2, %dma_start3A_9] : memref<4096x768xf32, #tpu.memory_space<hbm>> -> memref<128x768xf32, #tpu.memory_space<hbm>>
      tpu.enqueue_dma source(%arg6 : memref<128x768xf32, #tpu.memory_space<vmem>>) target(%dma_start3A_10 : memref<128x768xf32, #tpu.memory_space<hbm>>) target_semaphore(%run_scoped3A : memref<!tpu.dma_semaphore, #tpu.memory_space<semaphore_mem>>)
      %dma_wait3A_11 = arith.constant 0 : i32
      %dma_wait3A_12 = tpu.memref_slice %arg4[%mul3A_2, %dma_wait3A_11] : memref<4096x768xf32, #tpu.memory_space<hbm>> -> memref<128x768xf32, #tpu.memory_space<hbm>>
      %dma_wait3A_13 = arith.constant 0 : i32
      %dma_wait3A_14 = tpu.memref_slice %arg4[%mul3A_2, %dma_wait3A_13] : memref<4096x768xf32, #tpu.memory_space<hbm>> -> memref<128x768xf32, #tpu.memory_space<hbm>>
      tpu.wait_dma2 semaphore(%run_scoped3A : memref<!tpu.dma_semaphore, #tpu.memory_space<semaphore_mem>>) src(%arg6 : memref<128x768xf32, #tpu.memory_space<vmem>>) dst(%dma_wait3A_14 : memref<128x768xf32, #tpu.memory_space<hbm>>)
      tpu.yield
    }) : () -> ()
    return
  }
}

module attributes {stable_mosaic.version = 14 : i64} {
  func.func @_rank_body(%arg0: i32, %arg1: memref<1024x768xf32, #tpu.memory_space<vmem>>, %arg2: memref<768x64xf32, #tpu.memory_space<vmem>>, %arg3: memref<1x64xf32, #tpu.memory_space<vmem>>, %arg4: memref<1xf32, #tpu.memory_space<smem>>, %arg5: memref<1024x512xi32, #tpu.memory_space<vmem>>, %arg6: memref<1024x1xi32, #tpu.memory_space<vmem>>, %arg7: memref<8x64xi32, #tpu.memory_space<vmem>>, %arg8: memref<128x1xi32, #tpu.memory_space<vmem>>, %arg9: memref<8x128xi32, #tpu.memory_space<vmem>>, %arg10: memref<8x64xf32, #tpu.memory_space<vmem>>) attributes {dimension_semantics = [#tpu.dimension_semantics<arbitrary>], iteration_bounds = array<i64: 5>, scalar_prefetch = 0 : i64, scratch_operands = 1 : i64, tpu.core_type = #tpu.core_type<tc>, window_params = [{transform_indices = @transform_0, window_bounds = array<i64: 1024, 768>}, {pipeline_mode = #tpu.pipeline_mode<synchronous>, transform_indices = @transform_1, window_bounds = array<i64: 768, 64>}, {pipeline_mode = #tpu.pipeline_mode<synchronous>, transform_indices = @transform_2, window_bounds = array<i64: 1, 64>}, {transform_indices = @transform_3, window_bounds = array<i64: 1>}, {transform_indices = @transform_4, window_bounds = array<i64: 1024, 512>}, {transform_indices = @transform_5, window_bounds = array<i64: 1024, 1>}, {pipeline_mode = #tpu.pipeline_mode<synchronous>, transform_indices = @transform_6, window_bounds = array<i64: 8, 64>}, {pipeline_mode = #tpu.pipeline_mode<synchronous>, transform_indices = @transform_7, window_bounds = array<i64: 128, 1>}, {pipeline_mode = #tpu.pipeline_mode<synchronous>, transform_indices = @transform_8, window_bounds = array<i64: 8, 128>}]} {
    %eq3A = arith.constant 0 : i32
    %eq3A_0 = arith.cmpi eq, %arg0, %eq3A : i32
    %convert_element_type3A = arith.extui %eq3A_0 : i1 to i32
    %cond3A = arith.constant 0 : i32
    %cond3A_1 = arith.cmpi ne, %convert_element_type3A, %cond3A : i32
    scf.if %cond3A_1 {
      %broadcast_in_dim3A = arith.constant 0.000000e+00 : f32
      %broadcast_in_dim3A_11 = vector.broadcast %broadcast_in_dim3A : f32 to vector<8x64xf32>
      %swap3A = arith.constant 0 : index
      %swap3A_12 = arith.constant 0 : index
      %swap3A_13 = vector.load %arg10[%swap3A, %swap3A_12] : memref<8x64xf32, #tpu.memory_space<vmem>>, vector<8x64xf32>
      tpu.vector_store %arg10[%swap3A, %swap3A_12], %broadcast_in_dim3A_11 {strides = array<i32>} : memref<8x64xf32, #tpu.memory_space<vmem>>, vector<8x64xf32>,
    } else {
    }
    %lt3A = arith.constant 4 : i32
    %lt3A_2 = arith.cmpi slt, %arg0, %lt3A : i32
    %convert_element_type3A_3 = arith.extui %lt3A_2 : i1 to i32
    %cond3A_4 = arith.constant 0 : i32
    %cond3A_5 = arith.cmpi ne, %convert_element_type3A_3, %cond3A_4 : i32
    scf.if %cond3A_5 {
      %get3A = arith.constant 0 : index
      %get3A_11 = arith.constant 0 : index
      %get3A_12 = vector.load %arg1[%get3A, %get3A_11] : memref<1024x768xf32, #tpu.memory_space<vmem>>, vector<1024x768xf32>
      %get3A_13 = arith.constant 0 : index
      %get3A_14 = arith.constant 0 : index
      %get3A_15 = vector.load %arg2[%get3A_13, %get3A_14] : memref<768x64xf32, #tpu.memory_space<vmem>>, vector<768x64xf32>
      %dot_general3A = arith.constant dense<0.000000e+00> : vector<1024x64xf32>
      %dot_general3A_16 = tpu.matmul %get3A_12, %get3A_15, %dot_general3A {dimension_numbers = #tpu.dot_dimension_numbers<[1], [0], [0], [1], [0, 0, 1, 1], [], []>, transpose_lhs_hint = false} : vector<1024x768xf32>, vector<768x64xf32>, vector<1024x64xf32> -> vector<1024x64xf32>
      %get3A_17 = arith.constant 0 : index
      %get3A_18 = arith.constant 0 : index
      %get3A_19 = vector.load %arg3[%get3A_17, %get3A_18] : memref<1x64xf32, #tpu.memory_space<vmem>>, vector<1x64xf32>
      %add3A = vector.broadcast %get3A_19 : vector<1x64xf32> to vector<1024x64xf32>
      %add3A_20 = arith.addf %dot_general3A_16, %add3A : vector<1024x64xf32>
      %reduce_max3A = arith.constant dense<0xFF800000> : vector<1024xf32>
      %reduce_max3A_21 = vector.multi_reduction <maximumf>, %add3A_20, %reduce_max3A [1] : vector<1024x64xf32> to vector<1024xf32>
      %broadcast_in_dim3A = vector.shape_cast %reduce_max3A_21 : vector<1024xf32> to vector<1024x1xf32>
      %sub3A = vector.broadcast %broadcast_in_dim3A : vector<1024x1xf32> to vector<1024x64xf32>
      %sub3A_22 = arith.subf %add3A_20, %sub3A : vector<1024x64xf32>
      %exp3A = math.exp %sub3A_22 : vector<1024x64xf32>
      %reduce_sum3A = arith.constant dense<0.000000e+00> : vector<1024xf32>
      %reduce_sum3A_23 = vector.multi_reduction <add>, %exp3A, %reduce_sum3A [1] : vector<1024x64xf32> to vector<1024xf32>
      %broadcast_in_dim3A_24 = vector.shape_cast %reduce_sum3A_23 : vector<1024xf32> to vector<1024x1xf32>
      %get3A_25 = arith.constant 0 : index
      %get3A_26 = memref.load %arg4[%get3A_25] : memref<1xf32, #tpu.memory_space<smem>>
      %div3A = vector.broadcast %get3A_26 : f32 to vector<1024x1xf32>
      %div3A_27 = arith.divf %div3A, %broadcast_in_dim3A_24 : vector<1024x1xf32>
      %iota3A = tpu.iota {dimensions = array<i32: 1>} : vector<1024x64xi32>
      %eq3A_28 = vector.broadcast %broadcast_in_dim3A : vector<1024x1xf32> to vector<1024x64xf32>
      %eq3A_29 = arith.cmpf oeq, %add3A_20, %eq3A_28 : vector<1024x64xf32>
      %jit3A = arith.constant 64 : i32
      %broadcast_in_dim3A_30 = vector.broadcast %jit3A : i32 to vector<1024x64xi32>
      %select_n3A = arith.select %eq3A_29, %iota3A, %broadcast_in_dim3A_30 : vector<1024x64xi1>, vector<1024x64xi32>
      %reduce_min3A = arith.constant dense<2147483647> : vector<1024xi32>
      %reduce_min3A_31 = vector.multi_reduction <minsi>, %select_n3A, %reduce_min3A [1] : vector<1024x64xi32> to vector<1024xi32>
      %broadcast_in_dim3A_32 = vector.shape_cast %reduce_min3A_31 : vector<1024xi32> to vector<1024x1xi32>
      %bitcast_convert_type3A = tpu.bitcast %get3A_12 : vector<1024x768xf32> -> vector<1024x768xi32>
      %slice3A = vector.extract_strided_slice %bitcast_convert_type3A {offsets = [0, 0], sizes = [1024, 384], strides = [1, 1]} : vector<1024x768xi32> to vector<1024x384xi32>
      %add3A_33 = arith.constant 32767 : i32
      %add3A_34 = vector.broadcast %add3A_33 : i32 to vector<1024x384xi32>
      %add3A_35 = arith.addi %slice3A, %add3A_34 : vector<1024x384xi32>
      %shift_right_logical3A = arith.constant 16 : i32
      %shift_right_logical3A_36 = vector.broadcast %shift_right_logical3A : i32 to vector<1024x384xi32>
      %shift_right_logical3A_37 = arith.shrui %slice3A, %shift_right_logical3A_36 : vector<1024x384xi32>
      %and3A = arith.constant 1 : i32
      %and3A_38 = vector.broadcast %and3A : i32 to vector<1024x384xi32>
      %and3A_39 = arith.andi %shift_right_logical3A_37, %and3A_38 : vector<1024x384xi32>
      %add3A_40 = arith.addi %add3A_35, %and3A_39 : vector<1024x384xi32>
      %shift_right_logical3A_41 = arith.constant 16 : i32
      %shift_right_logical3A_42 = vector.broadcast %shift_right_logical3A_41 : i32 to vector<1024x384xi32>
      %shift_right_logical3A_43 = arith.shrui %add3A_40, %shift_right_logical3A_42 : vector<1024x384xi32>
      %slice3A_44 = vector.extract_strided_slice %bitcast_convert_type3A {offsets = [0, 384], sizes = [1024, 384], strides = [1, 1]} : vector<1024x768xi32> to vector<1024x384xi32>
      %add3A_45 = arith.constant 32767 : i32
      %add3A_46 = vector.broadcast %add3A_45 : i32 to vector<1024x384xi32>
      %add3A_47 = arith.addi %slice3A_44, %add3A_46 : vector<1024x384xi32>
      %shift_right_logical3A_48 = arith.constant 16 : i32
      %shift_right_logical3A_49 = vector.broadcast %shift_right_logical3A_48 : i32 to vector<1024x384xi32>
      %shift_right_logical3A_50 = arith.shrui %slice3A_44, %shift_right_logical3A_49 : vector<1024x384xi32>
      %and3A_51 = arith.constant 1 : i32
      %and3A_52 = vector.broadcast %and3A_51 : i32 to vector<1024x384xi32>
      %and3A_53 = arith.andi %shift_right_logical3A_50, %and3A_52 : vector<1024x384xi32>
      %add3A_54 = arith.addi %add3A_47, %and3A_53 : vector<1024x384xi32>
      %shift_right_logical3A_55 = arith.constant 16 : i32
      %shift_right_logical3A_56 = vector.broadcast %shift_right_logical3A_55 : i32 to vector<1024x384xi32>
      %shift_right_logical3A_57 = arith.shrui %add3A_54, %shift_right_logical3A_56 : vector<1024x384xi32>
      %broadcast_in_dim3A_58 = vector.shape_cast %div3A_27 : vector<1024x1xf32> to vector<1024x1xf32>
      %broadcast_in_dim3A_59 = vector.broadcast %broadcast_in_dim3A_58 : vector<1024x1xf32> to vector<1024x128xf32>
      %bitcast_convert_type3A_60 = tpu.bitcast %broadcast_in_dim3A_59 : vector<1024x128xf32> -> vector<1024x128xi32>
      %add3A_61 = arith.constant 32767 : i32
      %add3A_62 = vector.broadcast %add3A_61 : i32 to vector<1024x128xi32>
      %add3A_63 = arith.addi %bitcast_convert_type3A_60, %add3A_62 : vector<1024x128xi32>
      %shift_right_logical3A_64 = arith.constant 16 : i32
      %shift_right_logical3A_65 = vector.broadcast %shift_right_logical3A_64 : i32 to vector<1024x128xi32>
      %shift_right_logical3A_66 = arith.shrui %bitcast_convert_type3A_60, %shift_right_logical3A_65 : vector<1024x128xi32>
      %and3A_67 = arith.constant 1 : i32
      %and3A_68 = vector.broadcast %and3A_67 : i32 to vector<1024x128xi32>
      %and3A_69 = arith.andi %shift_right_logical3A_66, %and3A_68 : vector<1024x128xi32>
      %add3A_70 = arith.addi %add3A_63, %and3A_69 : vector<1024x128xi32>
      %shift_right_logical3A_71 = arith.constant 16 : i32
      %shift_right_logical3A_72 = vector.broadcast %shift_right_logical3A_71 : i32 to vector<1024x128xi32>
      %shift_right_logical3A_73 = arith.shrui %add3A_70, %shift_right_logical3A_72 : vector<1024x128xi32>
      %shift_left3A = arith.constant 16 : i32
      %shift_left3A_74 = vector.broadcast %shift_left3A : i32 to vector<1024x128xi32>
      %shift_left3A_75 = arith.shli %shift_right_logical3A_73, %shift_left3A_74 : vector<1024x128xi32>
      %or3A = arith.ori %shift_right_logical3A_73, %shift_left3A_75 : vector<1024x128xi32>
      %shift_left3A_76 = arith.constant 16 : i32
      %shift_left3A_77 = vector.broadcast %shift_left3A_76 : i32 to vector<1024x384xi32>
      %shift_left3A_78 = arith.shli %shift_right_logical3A_57, %shift_left3A_77 : vector<1024x384xi32>
      %or3A_79 = arith.ori %shift_right_logical3A_43, %shift_left3A_78 : vector<1024x384xi32>
      %concatenate3A = tpu.concatenate %or3A_79, %or3A in 1 : vector<1024x384xi32>, vector<1024x128xi32> -> vector<1024x512xi32>
      %swap3A = arith.constant 0 : index
      %swap3A_80 = arith.constant 0 : index
      %swap3A_81 = vector.load %arg5[%swap3A, %swap3A_80] : memref<1024x512xi32, #tpu.memory_space<vmem>>, vector<1024x512xi32>
      tpu.vector_store %arg5[%swap3A, %swap3A_80], %concatenate3A {strides = array<i32>} : memref<1024x512xi32, #tpu.memory_space<vmem>>, vector<1024x512xi32>,
      %eq3A_82 = vector.broadcast %broadcast_in_dim3A_32 : vector<1024x1xi32> to vector<1024x64xi32>
      %eq3A_83 = arith.cmpi eq, %iota3A, %eq3A_82 : vector<1024x64xi32>
      %convert_element_type3A_84 = arith.extui %eq3A_83 : vector<1024x64xi1> to vector<1024x64xi32>
      %convert_element_type3A_85 = arith.sitofp %convert_element_type3A_84 : vector<1024x64xi32> to vector<1024x64xf32>
      %iota3A_86 = tpu.iota {dimensions = array<i32: 0>} : vector<1024x1024xi32>
      %iota3A_87 = tpu.iota {dimensions = array<i32: 1>} : vector<1024x1024xi32>
      %ge3A = arith.cmpi sge, %iota3A_86, %iota3A_87 : vector<1024x1024xi32>
      %convert_element_type3A_88 = arith.extui %ge3A : vector<1024x1024xi1> to vector<1024x1024xi32>
      %convert_element_type3A_89 = arith.sitofp %convert_element_type3A_88 : vector<1024x1024xi32> to vector<1024x1024xf32>
      %dot_general3A_90 = arith.constant dense<0.000000e+00> : vector<1024x64xf32>
      %dot_general3A_91 = tpu.matmul %convert_element_type3A_89, %convert_element_type3A_85, %dot_general3A_90 {dimension_numbers = #tpu.dot_dimension_numbers<[1], [0], [0], [1], [0, 0, 1, 1], [], []>, transpose_lhs_hint = false} : vector<1024x1024xf32>, vector<1024x64xf32>, vector<1024x64xf32> -> vector<1024x64xf32>
      %mul3A = arith.mulf %convert_element_type3A_85, %dot_general3A_91 : vector<1024x64xf32>
      %reduce_sum3A_92 = arith.constant dense<0.000000e+00> : vector<1024xf32>
      %reduce_sum3A_93 = vector.multi_reduction <add>, %mul3A, %reduce_sum3A_92 [1] : vector<1024x64xf32> to vector<1024xf32>
      %broadcast_in_dim3A_94 = vector.shape_cast %reduce_sum3A_93 : vector<1024xf32> to vector<1024x1xf32>
      %sub3A_95 = arith.constant 1.000000e+00 : f32
      %sub3A_96 = vector.broadcast %sub3A_95 : f32 to vector<1024x1xf32>
      %sub3A_97 = arith.subf %broadcast_in_dim3A_94, %sub3A_96 : vector<1024x1xf32>
      %get3A_98 = arith.constant 0 : index
      %get3A_99 = arith.constant 0 : index
      %get3A_100 = vector.load %arg10[%get3A_98, %get3A_99] : memref<8x64xf32, #tpu.memory_space<vmem>>, vector<1x64xf32>
      %mul3A_101 = vector.broadcast %get3A_100 : vector<1x64xf32> to vector<1024x64xf32>
      %mul3A_102 = arith.mulf %convert_element_type3A_85, %mul3A_101 : vector<1024x64xf32>
      %reduce_sum3A_103 = arith.constant dense<0.000000e+00> : vector<1024xf32>
      %reduce_sum3A_104 = vector.multi_reduction <add>, %mul3A_102, %reduce_sum3A_103 [1] : vector<1024x64xf32> to vector<1024xf32>
      %broadcast_in_dim3A_105 = vector.shape_cast %reduce_sum3A_104 : vector<1024xf32> to vector<1024x1xf32>
      %add3A_106 = arith.addf %sub3A_97, %broadcast_in_dim3A_105 : vector<1024x1xf32>
      %shift_left3A_107 = arith.constant 12 : i32
      %shift_left3A_108 = vector.broadcast %shift_left3A_107 : i32 to vector<1024x1xi32>
      %shift_left3A_109 = arith.shli %broadcast_in_dim3A_32, %shift_left3A_108 : vector<1024x1xi32>
      %convert_element_type3A_110 = arith.fptosi %add3A_106 : vector<1024x1xf32> to vector<1024x1xi32>
      %or3A_111 = arith.ori %shift_left3A_109, %convert_element_type3A_110 : vector<1024x1xi32>
      %swap3A_112 = arith.constant 0 : index
      %swap3A_113 = arith.constant 0 : index
      %swap3A_114 = vector.load %arg6[%swap3A_112, %swap3A_113] : memref<1024x1xi32, #tpu.memory_space<vmem>>, vector<1024x1xi32>
      tpu.vector_store %arg6[%swap3A_112, %swap3A_113], %or3A_111 {strides = array<i32>} : memref<1024x1xi32, #tpu.memory_space<vmem>>, vector<1024x1xi32>,
      %reduce_sum3A_115 = arith.constant dense<0.000000e+00> : vector<64xf32>
      %reduce_sum3A_116 = vector.multi_reduction <add>, %convert_element_type3A_85, %reduce_sum3A_115 [0] : vector<1024x64xf32> to vector<64xf32>
      %broadcast_in_dim3A_117 = vector.shape_cast %reduce_sum3A_116 : vector<64xf32> to vector<1x64xf32>
      %add3A_118 = arith.addf %get3A_100, %broadcast_in_dim3A_117 : vector<1x64xf32>
      %swap3A_119 = arith.constant 0 : index
      %swap3A_120 = arith.constant 0 : index
      %swap3A_121 = vector.load %arg10[%swap3A_119, %swap3A_120] : memref<8x64xf32, #tpu.memory_space<vmem>>, vector<1x64xf32>
      tpu.vector_store %arg10[%swap3A_119, %swap3A_120], %add3A_118 {strides = array<i32>} : memref<8x64xf32, #tpu.memory_space<vmem>>, vector<1x64xf32>,
    } else {
    }
    %eq3A_6 = arith.constant 4 : i32
    %eq3A_7 = arith.cmpi eq, %arg0, %eq3A_6 : i32
    %convert_element_type3A_8 = arith.extui %eq3A_7 : i1 to i32
    %cond3A_9 = arith.constant 0 : i32
    %cond3A_10 = arith.cmpi ne, %convert_element_type3A_8, %cond3A_9 : i32
    scf.if %cond3A_10 {
      %get3A = arith.constant 0 : index
      %get3A_11 = arith.constant 0 : index
      %get3A_12 = vector.load %arg10[%get3A, %get3A_11] : memref<8x64xf32, #tpu.memory_space<vmem>>, vector<1x64xf32>
      %add3A = arith.constant 6.300000e+01 : f32
      %add3A_13 = vector.broadcast %add3A : f32 to vector<1x64xf32>
      %add3A_14 = arith.addf %get3A_12, %add3A_13 : vector<1x64xf32>
      %mul3A = arith.constant 1.562500e-02 : f32
      %mul3A_15 = vector.broadcast %mul3A : f32 to vector<1x64xf32>
      %mul3A_16 = arith.mulf %add3A_14, %mul3A_15 : vector<1x64xf32>
      %floor3A = math.floor %mul3A_16 : vector<1x64xf32>
      %mul3A_17 = arith.constant 6.400000e+01 : f32
      %mul3A_18 = vector.broadcast %mul3A_17 : f32 to vector<1x64xf32>
      %mul3A_19 = arith.mulf %floor3A, %mul3A_18 : vector<1x64xf32>
      %broadcast_in_dim3A = arith.constant 0.000000e+00 : f32
      %broadcast_in_dim3A_20 = vector.broadcast %broadcast_in_dim3A : f32 to vector<1x1xf32>
      %slice3A = vector.extract_strided_slice %mul3A_19 {offsets = [0, 0], sizes = [1, 63], strides = [1, 1]} : vector<1x64xf32> to vector<1x63xf32>
      %concatenate3A = tpu.concatenate %broadcast_in_dim3A_20, %slice3A in 1 : vector<1x1xf32>, vector<1x63xf32> -> vector<1x64xf32>
      %add3A_21 = arith.addf %mul3A_19, %concatenate3A : vector<1x64xf32>
      %broadcast_in_dim3A_22 = arith.constant 0.000000e+00 : f32
      %broadcast_in_dim3A_23 = vector.broadcast %broadcast_in_dim3A_22 : f32 to vector<1x2xf32>
      %slice3A_24 = vector.extract_strided_slice %add3A_21 {offsets = [0, 0], sizes = [1, 62], strides = [1, 1]} : vector<1x64xf32> to vector<1x62xf32>
      %concatenate3A_25 = tpu.concatenate %broadcast_in_dim3A_23, %slice3A_24 in 1 : vector<1x2xf32>, vector<1x62xf32> -> vector<1x64xf32>
      %add3A_26 = arith.addf %add3A_21, %concatenate3A_25 : vector<1x64xf32>
      %broadcast_in_dim3A_27 = arith.constant 0.000000e+00 : f32
      %broadcast_in_dim3A_28 = vector.broadcast %broadcast_in_dim3A_27 : f32 to vector<1x4xf32>
      %slice3A_29 = vector.extract_strided_slice %add3A_26 {offsets = [0, 0], sizes = [1, 60], strides = [1, 1]} : vector<1x64xf32> to vector<1x60xf32>
      %concatenate3A_30 = tpu.concatenate %broadcast_in_dim3A_28, %slice3A_29 in 1 : vector<1x4xf32>, vector<1x60xf32> -> vector<1x64xf32>
      %add3A_31 = arith.addf %add3A_26, %concatenate3A_30 : vector<1x64xf32>
      %broadcast_in_dim3A_32 = arith.constant 0.000000e+00 : f32
      %broadcast_in_dim3A_33 = vector.broadcast %broadcast_in_dim3A_32 : f32 to vector<1x8xf32>
      %slice3A_34 = vector.extract_strided_slice %add3A_31 {offsets = [0, 0], sizes = [1, 56], strides = [1, 1]} : vector<1x64xf32> to vector<1x56xf32>
      %concatenate3A_35 = tpu.concatenate %broadcast_in_dim3A_33, %slice3A_34 in 1 : vector<1x8xf32>, vector<1x56xf32> -> vector<1x64xf32>
      %add3A_36 = arith.addf %add3A_31, %concatenate3A_35 : vector<1x64xf32>
      %broadcast_in_dim3A_37 = arith.constant 0.000000e+00 : f32
      %broadcast_in_dim3A_38 = vector.broadcast %broadcast_in_dim3A_37 : f32 to vector<1x16xf32>
      %slice3A_39 = vector.extract_strided_slice %add3A_36 {offsets = [0, 0], sizes = [1, 48], strides = [1, 1]} : vector<1x64xf32> to vector<1x48xf32>
      %concatenate3A_40 = tpu.concatenate %broadcast_in_dim3A_38, %slice3A_39 in 1 : vector<1x16xf32>, vector<1x48xf32> -> vector<1x64xf32>
      %add3A_41 = arith.addf %add3A_36, %concatenate3A_40 : vector<1x64xf32>
      %broadcast_in_dim3A_42 = arith.constant 0.000000e+00 : f32
      %broadcast_in_dim3A_43 = vector.broadcast %broadcast_in_dim3A_42 : f32 to vector<1x32xf32>
      %slice3A_44 = vector.extract_strided_slice %add3A_41 {offsets = [0, 0], sizes = [1, 32], strides = [1, 1]} : vector<1x64xf32> to vector<1x32xf32>
      %concatenate3A_45 = tpu.concatenate %broadcast_in_dim3A_43, %slice3A_44 in 1 : vector<1x32xf32>, vector<1x32xf32> -> vector<1x64xf32>
      %add3A_46 = arith.addf %add3A_41, %concatenate3A_45 : vector<1x64xf32>
      %sub3A = arith.subf %add3A_46, %mul3A_19 : vector<1x64xf32>
      %broadcast_in_dim3A_47 = vector.shape_cast %sub3A : vector<1x64xf32> to vector<1x64xf32>
      %broadcast_in_dim3A_48 = vector.broadcast %broadcast_in_dim3A_47 : vector<1x64xf32> to vector<8x64xf32>
      %convert_element_type3A_49 = arith.fptosi %broadcast_in_dim3A_48 : vector<8x64xf32> to vector<8x64xi32>
      %swap3A = arith.constant 0 : index
      %swap3A_50 = arith.constant 0 : index
      %swap3A_51 = vector.load %arg7[%swap3A, %swap3A_50] : memref<8x64xi32, #tpu.memory_space<vmem>>, vector<8x64xi32>
      tpu.vector_store %arg7[%swap3A, %swap3A_50], %convert_element_type3A_49 {strides = array<i32>} : memref<8x64xi32, #tpu.memory_space<vmem>>, vector<8x64xi32>,
      %add3A_52 = arith.addf %sub3A, %mul3A_19 : vector<1x64xf32>
      %reduce_max3A = arith.constant dense<0xFF800000> : vector<1xf32>
      %reduce_max3A_53 = vector.multi_reduction <maximumf>, %add3A_52, %reduce_max3A [1] : vector<1x64xf32> to vector<1xf32>
      %broadcast_in_dim3A_54 = vector.shape_cast %reduce_max3A_53 : vector<1xf32> to vector<1x1xf32>
      %iota3A = tpu.iota {dimensions = array<i32: 0>} : vector<128x1xi32>
      %convert_element_type3A_55 = arith.sitofp %iota3A : vector<128x1xi32> to vector<128x1xf32>
      %mul3A_56 = arith.constant 6.400000e+01 : f32
      %mul3A_57 = vector.broadcast %mul3A_56 : f32 to vector<128x1xf32>
      %mul3A_58 = arith.mulf %convert_element_type3A_55, %mul3A_57 : vector<128x1xf32>
      %broadcast_in_dim3A_59 = vector.shape_cast %add3A_52 : vector<1x64xf32> to vector<1x64xf32>
      %broadcast_in_dim3A_60 = vector.broadcast %broadcast_in_dim3A_59 : vector<1x64xf32> to vector<128x64xf32>
      %broadcast_in_dim3A_61 = vector.shape_cast %mul3A_58 : vector<128x1xf32> to vector<128x1xf32>
      %broadcast_in_dim3A_62 = vector.broadcast %broadcast_in_dim3A_61 : vector<128x1xf32> to vector<128x64xf32>
      %le3A = arith.cmpf ole, %broadcast_in_dim3A_60, %broadcast_in_dim3A_62 : vector<128x64xf32>
      %convert_element_type3A_63 = arith.extui %le3A : vector<128x64xi1> to vector<128x64xi32>
      %convert_element_type3A_64 = arith.sitofp %convert_element_type3A_63 : vector<128x64xi32> to vector<128x64xf32>
      %reduce_sum3A = arith.constant dense<0.000000e+00> : vector<128xf32>
      %reduce_sum3A_65 = vector.multi_reduction <add>, %convert_element_type3A_64, %reduce_sum3A [1] : vector<128x64xf32> to vector<128xf32>
      %broadcast_in_dim3A_66 = vector.shape_cast %reduce_sum3A_65 : vector<128xf32> to vector<128x1xf32>
      %iota3A_67 = tpu.iota {dimensions = array<i32: 1>} : vector<1x64xi32>
      %convert_element_type3A_68 = arith.sitofp %iota3A_67 : vector<1x64xi32> to vector<1x64xf32>
      %gt3A = arith.constant 0.000000e+00 : f32
      %gt3A_69 = vector.broadcast %gt3A : f32 to vector<1x64xf32>
      %gt3A_70 = arith.cmpf ogt, %get3A_12, %gt3A_69 : vector<1x64xf32>
      %convert_element_type3A_71 = arith.extui %gt3A_70 : vector<1x64xi1> to vector<1x64xi32>
      %convert_element_type3A_72 = arith.sitofp %convert_element_type3A_71 : vector<1x64xi32> to vector<1x64xf32>
      %mul3A_73 = arith.mulf %convert_element_type3A_68, %convert_element_type3A_72 : vector<1x64xf32>
      %reduce_max3A_74 = arith.constant dense<0xFF800000> : vector<1xf32>
      %reduce_max3A_75 = vector.multi_reduction <maximumf>, %mul3A_73, %reduce_max3A_74 [1] : vector<1x64xf32> to vector<1xf32>
      %broadcast_in_dim3A_76 = vector.shape_cast %reduce_max3A_75 : vector<1xf32> to vector<1x1xf32>
      %lt3A_77 = vector.broadcast %broadcast_in_dim3A_54 : vector<1x1xf32> to vector<128x1xf32>
      %lt3A_78 = arith.cmpf olt, %mul3A_58, %lt3A_77 : vector<128x1xf32>
      %min3A = arith.constant 6.300000e+01 : f32
      %min3A_79 = vector.broadcast %min3A : f32 to vector<128x1xf32>
      %min3A_80 = arith.minimumf %broadcast_in_dim3A_66, %min3A_79 : vector<128x1xf32>
      %broadcast_in_dim3A_81 = vector.shape_cast %broadcast_in_dim3A_76 : vector<1x1xf32> to vector<1x1xf32>
      %broadcast_in_dim3A_82 = vector.broadcast %broadcast_in_dim3A_81 : vector<1x1xf32> to vector<128x1xf32>
      %select_n3A = arith.select %lt3A_78, %min3A_80, %broadcast_in_dim3A_82 : vector<128x1xi1>, vector<128x1xf32>
      %convert_element_type3A_83 = arith.fptosi %select_n3A : vector<128x1xf32> to vector<128x1xi32>
      %swap3A_84 = arith.constant 0 : index
      %swap3A_85 = arith.constant 0 : index
      %swap3A_86 = vector.load %arg8[%swap3A_84, %swap3A_85] : memref<128x1xi32, #tpu.memory_space<vmem>>, vector<128x1xi32>
      tpu.vector_store %arg8[%swap3A_84, %swap3A_85], %convert_element_type3A_83 {strides = array<i32>} : memref<128x1xi32, #tpu.memory_space<vmem>>, vector<128x1xi32>,
      %mul3A_87 = arith.constant 1.562500e-02 : f32
      %mul3A_88 = vector.broadcast %mul3A_87 : f32 to vector<1x1xf32>
      %mul3A_89 = arith.mulf %broadcast_in_dim3A_54, %mul3A_88 : vector<1x1xf32>
      %broadcast_in_dim3A_90 = vector.shape_cast %mul3A_89 : vector<1x1xf32> to vector<1x1xf32>
      %broadcast_in_dim3A_91 = vector.broadcast %broadcast_in_dim3A_90 : vector<1x1xf32> to vector<8x128xf32>
      %convert_element_type3A_92 = arith.fptosi %broadcast_in_dim3A_91 : vector<8x128xf32> to vector<8x128xi32>
      %swap3A_93 = arith.constant 0 : index
      %swap3A_94 = arith.constant 0 : index
      %swap3A_95 = vector.load %arg9[%swap3A_93, %swap3A_94] : memref<8x128xi32, #tpu.memory_space<vmem>>, vector<8x128xi32>
      tpu.vector_store %arg9[%swap3A_93, %swap3A_94], %convert_element_type3A_92 {strides = array<i32>} : memref<8x128xi32, #tpu.memory_space<vmem>>, vector<8x128xi32>,
    } else {
    }
    return
  }
  func.func @transform_0(%arg0: i32) -> (i32, i32) {
    %min3A = arith.constant 3 : i32
    %min3A_0 = arith.minsi %arg0, %min3A : i32
    %c0_i32 = arith.constant 0 : i32
    %c0_i32_1 = arith.constant 0 : i32
    return %min3A_0, %c0_i32 : i32, i32
  }
  func.func @transform_1(%arg0: i32) -> (i32, i32) {
    %c0_i32 = arith.constant 0 : i32
    %c0_i32_0 = arith.constant 0 : i32
    %c0_i32_1 = arith.constant 0 : i32
    return %c0_i32, %c0_i32_0 : i32, i32
  }
  func.func @transform_2(%arg0: i32) -> (i32, i32) {
    %c0_i32 = arith.constant 0 : i32
    %c0_i32_0 = arith.constant 0 : i32
    %c0_i32_1 = arith.constant 0 : i32
    return %c0_i32, %c0_i32_0 : i32, i32
  }
  func.func @transform_3(%arg0: i32) -> i32 {
    %c0_i32 = arith.constant 0 : i32
    %c0_i32_0 = arith.constant 0 : i32
    return %c0_i32 : i32
  }
  func.func @transform_4(%arg0: i32) -> (i32, i32) {
    %min3A = arith.constant 3 : i32
    %min3A_0 = arith.minsi %arg0, %min3A : i32
    %c0_i32 = arith.constant 0 : i32
    %c0_i32_1 = arith.constant 0 : i32
    return %min3A_0, %c0_i32 : i32, i32
  }
  func.func @transform_5(%arg0: i32) -> (i32, i32) {
    %min3A = arith.constant 3 : i32
    %min3A_0 = arith.minsi %arg0, %min3A : i32
    %c0_i32 = arith.constant 0 : i32
    %c0_i32_1 = arith.constant 0 : i32
    return %min3A_0, %c0_i32 : i32, i32
  }
  func.func @transform_6(%arg0: i32) -> (i32, i32) {
    %c0_i32 = arith.constant 0 : i32
    %c0_i32_0 = arith.constant 0 : i32
    %c0_i32_1 = arith.constant 0 : i32
    return %c0_i32, %c0_i32_0 : i32, i32
  }
  func.func @transform_7(%arg0: i32) -> (i32, i32) {
    %c0_i32 = arith.constant 0 : i32
    %c0_i32_0 = arith.constant 0 : i32
    %c0_i32_1 = arith.constant 0 : i32
    return %c0_i32, %c0_i32_0 : i32, i32
  }
  func.func @transform_8(%arg0: i32) -> (i32, i32) {
    %c0_i32 = arith.constant 0 : i32
    %c0_i32_0 = arith.constant 0 : i32
    %c0_i32_1 = arith.constant 0 : i32
    return %c0_i32, %c0_i32_0 : i32, i32
  }
}

module attributes {stable_mosaic.version = 14 : i64} {
  func.func @_ffn_body(%arg0: i32, %arg1: memref<128x1xi32, #tpu.memory_space<smem>>, %arg2: memref<8x128xi32, #tpu.memory_space<smem>>, %arg3: memref<64x512xi32, #tpu.memory_space<vmem>>, %arg4: memref<1x768x768xf32, #tpu.memory_space<vmem>>, %arg5: memref<1x1x768xf32, #tpu.memory_space<vmem>>, %arg6: memref<1x768x768xf32, #tpu.memory_space<vmem>>, %arg7: memref<1x1x768xf32, #tpu.memory_space<vmem>>, %arg8: memref<1x768xf32, #tpu.memory_space<vmem>>, %arg9: memref<1x768xf32, #tpu.memory_space<vmem>>, %arg10: memref<64x768xf32, #tpu.memory_space<vmem>>) attributes {dimension_semantics = [#tpu.dimension_semantics<arbitrary>], iteration_bounds = array<i64: 128>, scalar_prefetch = 2 : i64, scratch_operands = 0 : i64, tpu.core_type = #tpu.core_type<tc>, window_params = [{transform_indices = @transform_0, window_bounds = array<i64: 64, 512>}, {transform_indices = @transform_1, window_bounds = array<i64: 1, 768, 768>}, {transform_indices = @transform_2, window_bounds = array<i64: 1, 1, 768>}, {transform_indices = @transform_3, window_bounds = array<i64: 1, 768, 768>}, {transform_indices = @transform_4, window_bounds = array<i64: 1, 1, 768>}, {pipeline_mode = #tpu.pipeline_mode<synchronous>, transform_indices = @transform_5, window_bounds = array<i64: 1, 768>}, {pipeline_mode = #tpu.pipeline_mode<synchronous>, transform_indices = @transform_6, window_bounds = array<i64: 1, 768>}, {transform_indices = @transform_7, window_bounds = array<i64: 64, 768>}]} {
    %get3A = arith.constant 0 : index
    %get3A_0 = arith.constant 0 : index
    %get3A_1 = memref.load %arg2[%get3A, %get3A_0] : memref<8x128xi32, #tpu.memory_space<smem>>
    %lt3A = arith.cmpi slt, %arg0, %get3A_1 : i32
    %convert_element_type3A = arith.extui %lt3A : i1 to i32
    %cond3A = arith.constant 0 : i32
    %cond3A_2 = arith.cmpi ne, %convert_element_type3A, %cond3A : i32
    scf.if %cond3A_2 {
      %get3A_3 = arith.constant 0 : index
      %get3A_4 = arith.constant 0 : index
      %get3A_5 = vector.load %arg3[%get3A_3, %get3A_4] : memref<64x512xi32, #tpu.memory_space<vmem>>, vector<64x384xi32>
      %shift_left3A = arith.constant 16 : i32
      %shift_left3A_6 = vector.broadcast %shift_left3A : i32 to vector<64x384xi32>
      %shift_left3A_7 = arith.shli %get3A_5, %shift_left3A_6 : vector<64x384xi32>
      %bitcast_convert_type3A = tpu.bitcast %shift_left3A_7 : vector<64x384xi32> -> vector<64x384xf32>
      %and3A = arith.constant -65536 : i32
      %and3A_8 = vector.broadcast %and3A : i32 to vector<64x384xi32>
      %and3A_9 = arith.andi %get3A_5, %and3A_8 : vector<64x384xi32>
      %bitcast_convert_type3A_10 = tpu.bitcast %and3A_9 : vector<64x384xi32> -> vector<64x384xf32>
      %get3A_11 = arith.constant 0 : index
      %get3A_12 = arith.constant 384 : index
      %get3A_13 = vector.load %arg3[%get3A_11, %get3A_12] : memref<64x512xi32, #tpu.memory_space<vmem>>, vector<64x1xi32>
      %shift_left3A_14 = arith.constant 16 : i32
      %shift_left3A_15 = vector.broadcast %shift_left3A_14 : i32 to vector<64x1xi32>
      %shift_left3A_16 = arith.shli %get3A_13, %shift_left3A_15 : vector<64x1xi32>
      %bitcast_convert_type3A_17 = tpu.bitcast %shift_left3A_16 : vector<64x1xi32> -> vector<64x1xf32>
      %get3A_18 = arith.constant 0 : index
      %get3A_19 = arith.constant 0 : index
      %get3A_20 = arith.constant 0 : index
      %get3A_21 = vector.load %arg4[%get3A_18, %get3A_19, %get3A_20] : memref<1x768x768xf32, #tpu.memory_space<vmem>>, vector<1x768x768xf32>
      %get3A_22 = vector.shape_cast %get3A_21 : vector<1x768x768xf32> to vector<768x768xf32>
      %slice3A = vector.extract_strided_slice %get3A_22 {offsets = [0, 0], sizes = [384, 768], strides = [1, 1]} : vector<768x768xf32> to vector<384x768xf32>
      %dot_general3A = arith.constant dense<0.000000e+00> : vector<64x768xf32>
      %dot_general3A_23 = tpu.matmul %bitcast_convert_type3A, %slice3A, %dot_general3A {dimension_numbers = #tpu.dot_dimension_numbers<[1], [0], [0], [1], [0, 0, 1, 1], [], []>, transpose_lhs_hint = false} : vector<64x384xf32>, vector<384x768xf32>, vector<64x768xf32> -> vector<64x768xf32>
      %slice3A_24 = vector.extract_strided_slice %get3A_22 {offsets = [384, 0], sizes = [384, 768], strides = [1, 1]} : vector<768x768xf32> to vector<384x768xf32>
      %dot_general3A_25 = arith.constant dense<0.000000e+00> : vector<64x768xf32>
      %dot_general3A_26 = tpu.matmul %bitcast_convert_type3A_10, %slice3A_24, %dot_general3A_25 {dimension_numbers = #tpu.dot_dimension_numbers<[1], [0], [0], [1], [0, 0, 1, 1], [], []>, transpose_lhs_hint = false} : vector<64x384xf32>, vector<384x768xf32>, vector<64x768xf32> -> vector<64x768xf32>
      %add3A = arith.addf %dot_general3A_23, %dot_general3A_26 : vector<64x768xf32>
      %get3A_27 = arith.constant 0 : index
      %get3A_28 = arith.constant 0 : index
      %get3A_29 = arith.constant 0 : index
      %get3A_30 = vector.load %arg5[%get3A_27, %get3A_28, %get3A_29] : memref<1x1x768xf32, #tpu.memory_space<vmem>>, vector<1x1x768xf32>
      %get3A_31 = vector.shape_cast %get3A_30 : vector<1x1x768xf32> to vector<1x768xf32>
      %add3A_32 = vector.broadcast %get3A_31 : vector<1x768xf32> to vector<64x768xf32>
      %add3A_33 = arith.addf %add3A, %add3A_32 : vector<64x768xf32>
      %mul3A = arith.constant 5.000000e-01 : f32
      %mul3A_34 = vector.broadcast %mul3A : f32 to vector<64x768xf32>
      %mul3A_35 = arith.mulf %mul3A_34, %add3A_33 : vector<64x768xf32>
      %mul3A_36 = arith.constant 0.707106769 : f32
      %mul3A_37 = vector.broadcast %mul3A_36 : f32 to vector<64x768xf32>
      %mul3A_38 = arith.mulf %add3A_33, %mul3A_37 : vector<64x768xf32>
      %erf3A = math.erf %mul3A_38 : vector<64x768xf32>
      %add3A_39 = arith.constant 1.000000e+00 : f32
      %add3A_40 = vector.broadcast %add3A_39 : f32 to vector<64x768xf32>
      %add3A_41 = arith.addf %add3A_40, %erf3A : vector<64x768xf32>
      %mul3A_42 = arith.mulf %mul3A_35, %add3A_41 : vector<64x768xf32>
      %get3A_43 = arith.constant 0 : index
      %get3A_44 = arith.constant 0 : index
      %get3A_45 = arith.constant 0 : index
      %get3A_46 = vector.load %arg6[%get3A_43, %get3A_44, %get3A_45] : memref<1x768x768xf32, #tpu.memory_space<vmem>>, vector<1x768x768xf32>
      %get3A_47 = vector.shape_cast %get3A_46 : vector<1x768x768xf32> to vector<768x768xf32>
      %dot_general3A_48 = arith.constant dense<0.000000e+00> : vector<64x768xf32>
      %dot_general3A_49 = tpu.matmul %mul3A_42, %get3A_47, %dot_general3A_48 {dimension_numbers = #tpu.dot_dimension_numbers<[1], [0], [0], [1], [0, 0, 1, 1], [], []>, transpose_lhs_hint = false} : vector<64x768xf32>, vector<768x768xf32>, vector<64x768xf32> -> vector<64x768xf32>
      %get3A_50 = arith.constant 0 : index
      %get3A_51 = arith.constant 0 : index
      %get3A_52 = arith.constant 0 : index
      %get3A_53 = vector.load %arg7[%get3A_50, %get3A_51, %get3A_52] : memref<1x1x768xf32, #tpu.memory_space<vmem>>, vector<1x1x768xf32>
      %get3A_54 = vector.shape_cast %get3A_53 : vector<1x1x768xf32> to vector<1x768xf32>
      %add3A_55 = vector.broadcast %get3A_54 : vector<1x768xf32> to vector<64x768xf32>
      %add3A_56 = arith.addf %dot_general3A_49, %add3A_55 : vector<64x768xf32>
      %mul3A_57 = vector.broadcast %bitcast_convert_type3A_17 : vector<64x1xf32> to vector<64x768xf32>
      %mul3A_58 = arith.mulf %add3A_56, %mul3A_57 : vector<64x768xf32>
      %reduce_sum3A = arith.constant dense<0.000000e+00> : vector<64xf32>
      %reduce_sum3A_59 = vector.multi_reduction <add>, %mul3A_58, %reduce_sum3A [1] : vector<64x768xf32> to vector<64xf32>
      %broadcast_in_dim3A = vector.shape_cast %reduce_sum3A_59 : vector<64xf32> to vector<64x1xf32>
      %div3A = arith.constant 7.680000e+02 : f32
      %div3A_60 = vector.broadcast %div3A : f32 to vector<64x1xf32>
      %div3A_61 = arith.divf %broadcast_in_dim3A, %div3A_60 : vector<64x1xf32>
      %sub3A = vector.broadcast %div3A_61 : vector<64x1xf32> to vector<64x768xf32>
      %sub3A_62 = arith.subf %mul3A_58, %sub3A : vector<64x768xf32>
      %mul3A_63 = arith.mulf %sub3A_62, %sub3A_62 : vector<64x768xf32>
      %reduce_sum3A_64 = arith.constant dense<0.000000e+00> : vector<64xf32>
      %reduce_sum3A_65 = vector.multi_reduction <add>, %mul3A_63, %reduce_sum3A_64 [1] : vector<64x768xf32> to vector<64xf32>
      %broadcast_in_dim3A_66 = vector.shape_cast %reduce_sum3A_65 : vector<64xf32> to vector<64x1xf32>
      %div3A_67 = arith.constant 7.680000e+02 : f32
      %div3A_68 = vector.broadcast %div3A_67 : f32 to vector<64x1xf32>
      %div3A_69 = arith.divf %broadcast_in_dim3A_66, %div3A_68 : vector<64x1xf32>
      %add3A_70 = arith.constant 9.99999974E-6 : f32
      %add3A_71 = vector.broadcast %add3A_70 : f32 to vector<64x1xf32>
      %add3A_72 = arith.addf %div3A_69, %add3A_71 : vector<64x1xf32>
      %rsqrt3A = math.rsqrt %add3A_72 : vector<64x1xf32>
      %mul3A_73 = vector.broadcast %rsqrt3A : vector<64x1xf32> to vector<64x768xf32>
      %mul3A_74 = arith.mulf %sub3A_62, %mul3A_73 : vector<64x768xf32>
      %get3A_75 = arith.constant 0 : index
      %get3A_76 = arith.constant 0 : index
      %get3A_77 = vector.load %arg8[%get3A_75, %get3A_76] : memref<1x768xf32, #tpu.memory_space<vmem>>, vector<1x768xf32>
      %mul3A_78 = vector.broadcast %get3A_77 : vector<1x768xf32> to vector<64x768xf32>
      %mul3A_79 = arith.mulf %mul3A_74, %mul3A_78 : vector<64x768xf32>
      %get3A_80 = arith.constant 0 : index
      %get3A_81 = arith.constant 0 : index
      %get3A_82 = vector.load %arg9[%get3A_80, %get3A_81] : memref<1x768xf32, #tpu.memory_space<vmem>>, vector<1x768xf32>
      %add3A_83 = vector.broadcast %get3A_82 : vector<1x768xf32> to vector<64x768xf32>
      %add3A_84 = arith.addf %mul3A_79, %add3A_83 : vector<64x768xf32>
      %swap3A = arith.constant 0 : index
      %swap3A_85 = arith.constant 0 : index
      %swap3A_86 = vector.load %arg10[%swap3A, %swap3A_85] : memref<64x768xf32, #tpu.memory_space<vmem>>, vector<64x768xf32>
      tpu.vector_store %arg10[%swap3A, %swap3A_85], %add3A_84 {strides = array<i32>} : memref<64x768xf32, #tpu.memory_space<vmem>>, vector<64x768xf32>,
    } else {
    }
    return
  }
  func.func @transform_0(%arg0: i32, %arg1: memref<128x1xi32, #tpu.memory_space<smem>>, %arg2: memref<8x128xi32, #tpu.memory_space<smem>>) -> (i32, i32) {
    %get3A = arith.constant 0 : index
    %get3A_0 = arith.constant 0 : index
    %get3A_1 = memref.load %arg2[%get3A, %get3A_0] : memref<8x128xi32, #tpu.memory_space<smem>>
    %sub3A = arith.constant 1 : i32
    %sub3A_2 = arith.subi %get3A_1, %sub3A : i32
    %min3A = arith.minsi %arg0, %sub3A_2 : i32
    %c0_i32 = arith.constant 0 : i32
    %c0_i32_3 = arith.constant 0 : i32
    return %min3A, %c0_i32 : i32, i32
  }
  func.func @transform_1(%arg0: i32, %arg1: memref<128x1xi32, #tpu.memory_space<smem>>, %arg2: memref<8x128xi32, #tpu.memory_space<smem>>) -> (i32, i32, i32) {
    %get3A = arith.index_cast %arg0 : i32 to index
    %get3A_0 = arith.constant 0 : index
    %get3A_1 = memref.load %arg1[%get3A, %get3A_0] : memref<128x1xi32, #tpu.memory_space<smem>>
    %c0_i32 = arith.constant 0 : i32
    %c0_i32_2 = arith.constant 0 : i32
    %c0_i32_3 = arith.constant 0 : i32
    return %get3A_1, %c0_i32, %c0_i32_2 : i32, i32, i32
  }
  func.func @transform_2(%arg0: i32, %arg1: memref<128x1xi32, #tpu.memory_space<smem>>, %arg2: memref<8x128xi32, #tpu.memory_space<smem>>) -> (i32, i32, i32) {
    %get3A = arith.index_cast %arg0 : i32 to index
    %get3A_0 = arith.constant 0 : index
    %get3A_1 = memref.load %arg1[%get3A, %get3A_0] : memref<128x1xi32, #tpu.memory_space<smem>>
    %c0_i32 = arith.constant 0 : i32
    %c0_i32_2 = arith.constant 0 : i32
    %c0_i32_3 = arith.constant 0 : i32
    return %get3A_1, %c0_i32, %c0_i32_2 : i32, i32, i32
  }
  func.func @transform_3(%arg0: i32, %arg1: memref<128x1xi32, #tpu.memory_space<smem>>, %arg2: memref<8x128xi32, #tpu.memory_space<smem>>) -> (i32, i32, i32) {
    %get3A = arith.index_cast %arg0 : i32 to index
    %get3A_0 = arith.constant 0 : index
    %get3A_1 = memref.load %arg1[%get3A, %get3A_0] : memref<128x1xi32, #tpu.memory_space<smem>>
    %c0_i32 = arith.constant 0 : i32
    %c0_i32_2 = arith.constant 0 : i32
    %c0_i32_3 = arith.constant 0 : i32
    return %get3A_1, %c0_i32, %c0_i32_2 : i32, i32, i32
  }
  func.func @transform_4(%arg0: i32, %arg1: memref<128x1xi32, #tpu.memory_space<smem>>, %arg2: memref<8x128xi32, #tpu.memory_space<smem>>) -> (i32, i32, i32) {
    %get3A = arith.index_cast %arg0 : i32 to index
    %get3A_0 = arith.constant 0 : index
    %get3A_1 = memref.load %arg1[%get3A, %get3A_0] : memref<128x1xi32, #tpu.memory_space<smem>>
    %c0_i32 = arith.constant 0 : i32
    %c0_i32_2 = arith.constant 0 : i32
    %c0_i32_3 = arith.constant 0 : i32
    return %get3A_1, %c0_i32, %c0_i32_2 : i32, i32, i32
  }
  func.func @transform_5(%arg0: i32, %arg1: memref<128x1xi32, #tpu.memory_space<smem>>, %arg2: memref<8x128xi32, #tpu.memory_space<smem>>) -> (i32, i32) {
    %c0_i32 = arith.constant 0 : i32
    %c0_i32_0 = arith.constant 0 : i32
    %c0_i32_1 = arith.constant 0 : i32
    return %c0_i32, %c0_i32_0 : i32, i32
  }
  func.func @transform_6(%arg0: i32, %arg1: memref<128x1xi32, #tpu.memory_space<smem>>, %arg2: memref<8x128xi32, #tpu.memory_space<smem>>) -> (i32, i32) {
    %c0_i32 = arith.constant 0 : i32
    %c0_i32_0 = arith.constant 0 : i32
    %c0_i32_1 = arith.constant 0 : i32
    return %c0_i32, %c0_i32_0 : i32, i32
  }
  func.func @transform_7(%arg0: i32, %arg1: memref<128x1xi32, #tpu.memory_space<smem>>, %arg2: memref<8x128xi32, #tpu.memory_space<smem>>) -> (i32, i32) {
    %get3A = arith.constant 0 : index
    %get3A_0 = arith.constant 0 : index
    %get3A_1 = memref.load %arg2[%get3A, %get3A_0] : memref<8x128xi32, #tpu.memory_space<smem>>
    %sub3A = arith.constant 1 : i32
    %sub3A_2 = arith.subi %get3A_1, %sub3A : i32
    %min3A = arith.minsi %arg0, %sub3A_2 : i32
    %c0_i32 = arith.constant 0 : i32
    %c0_i32_3 = arith.constant 0 : i32
    return %min3A, %c0_i32 : i32, i32
  }
}

</mosaic_0001>

<sc_bundles>
// kernel: kernel.6.cloned.1.call-start
scs
__scs_entry_jumppad:
0x0: {  	(pc) =	sbr.rel $0x88, $3  }
0x1: {  	(tag) =	ssettag $0x0;
	lr =	simm.s32 $0x1  }
0x2: {  	[smem:$0x3F97] =	sst lr;
	_ =	strace $0xD0000000  }
0x3: {  	_ = 	snop  }
0x4: {  	_ = 	snop  }
0x5: {  	_ = 	snop  }
0x6: {  	_ = 	snop  }
0x7: {  	_ = 	snop  }
__scs_overlays_trampoline_lowered:
0x8: {  	[smem:$0x3FA6] =	sst s0  }
0x9: {  	[smem:$0x3FA7] =	sst s1  }
0xa: {  	[smem:$0x3FA8] =	sst s2  }
0xb: {  	[smem:$0x3FA9] =	sst s3  }
0xc: {  	[smem:$0x3FAA] =	sst s4  }
0xd: {  	[smem:$0x3FAB] =	sst s5  }
0xe: {  	[smem:$0x3FAC] =	sst s6  }
0xf: {  	[smem:$0x3FAD] =	sst s7  }
0x10: {  	[smem:$0x3FAE] =	sst s8  }
0x11: {  	[smem:$0x3FAF] =	sst s9;
	s0 =	simm.s32 @!p0 $0x0  }
0x12: {  	s1 =	sld [smem:$0x3F95];
	s0 =	simm.s32 @p0 $0x1  }
0x13: {  	[smem:$0x3FB0] =	sst s0;
	s0 =	simm.s32 @!p1 $0x0  }
0x14: {  	s2 =	sld [smem:$0x3F94];
	s0 =	simm.s32 @p1 $0x1  }
0x15: {  	[smem:$0x3FB1] =	sst s0;
	s0 =	simm.s32 @!p2 $0x0  }
0x16: {  	s3 =	sld [smem:$0x3FDB];
	s0 =	simm.s32 @p2 $0x1  }
0x17: {  	s4 =	simm.s32 $0x1BF5;
	[smem:$0x3FB3] =	sst s0  }
0x18: {  	s0 =	sld [smem:$0x3F96];
	_ =	swait.ge [sflag:s4], $0x0  }
0x19: {  	s7 =	sld [smem:$0x3F97]  }
0x1a: {  	s8 =	sadd.s32 $0xFFFFE003, lr  }
0x1b: {  	s9 =	sadd.s32 $0xFFFFFEF7, lr;
	s5 =	simm.s32 $0xFFFFFFFF;
	p2 =	slt.u32 s8, $0xFFFFF086  }
0x1c: {  	p1 =	slt.u32 s9, $0xF7A;
	s5 =	simm.s32 @!p2 $0x0  }
0x1d: {  	s5 =	simm.s32 @p1 $0x1;
	p0 =	seq.s32 s7, s2  }
0x1e: {  	s7 =	smul.u32 @!p0 $0xF7A, s2;
	p2 =	seq.s32 @!p0 s5, $0x0  }
0x1f: {  	s9 =	smul.u32 $0xF7A, s1;
	s8 =	simm.s32 @!p0 $0x1BF5;
	p2 =	por !p2, p0  }
0x20: {  	[sflag:s8] =	ssyncset.s32 @!p0 $0xFFFFF086;
	s6 =	sadd.s32 @!p0 s3, s7;
	s7 =	simm.s32 @!p0 $0x108  }
0x21: {  	s3 =	sadd.s32 s3, s9;
	s6 =	sadd.s32 @!p0 $0x88, s6;
	s7 =	simm.s32 @p2 $0x1082  }
0x22: {  	[simem:s7], [sflag:s8] =	dma.local @!p0 [hbm:s6], $0xF7A  }
0x23: {  	s9 =	sor.u32 $0xD0000000, s2;
	s6 =	simm.s32 $0x108;
	_ =	swait.ge @!p0 [sflag:s8], $0x0  }
0x24: {  	s3 =	sadd.s32 $0x88, s3;
	s6 =	simm.s32 @!p1 $0x1082;
	[sflag:s4] =	ssyncset.s32 $0xFFFFF086  }
0x25: {  	[simem:s6], [sflag:s4] =	dma.local [hbm:s3], $0xF7A  }
0x26: {  	[smem:$0x3F97] =	sst s1;
	(tag) =	ssettag s2;
	_ =	strace s9  }
0x27: {  	s1 =	sld [smem:$0x3FA7]  }
0x28: {  	s2 =	sld [smem:$0x3FA8]  }
0x29: {  	s4 =	sld [smem:$0x3FAA]  }
0x2a: {  	p0 =	seq.s32 s5, $0x0;
	s5 =	sld [smem:$0x3FAB]  }
0x2b: {  	s6 =	sld [smem:$0x3FAC]  }
0x2c: {  	s7 =	sld [smem:$0x3FAD]  }
0x2d: {  	s3 =	simm.s32 $0x108;
	s8 =	sld [smem:$0x3FAE]  }
0x2e: {  	s3 =	simm.s32 @!p0 $0x1082;
	s9 =	sld [smem:$0x3FAF]  }
0x2f: {  	lr =	sadd.s32 s0, s3;
	s0 =	sld [smem:$0x3FA6]  }
0x30: {  	s3 =	sld [smem:$0x3FA9]  }
0x31: {  	[smem:$0x3FB2] =	sst s10  }
0x32: {  	s10 =	sld [smem:$0x3FB0];
	_ =	sdelay $0x3  }
0x33: {  	p0 =	seq.s32 s10, $0x1;
	s10 =	sld [smem:$0x3FB2];
	_ =	sdelay $0x3  }
0x34: {  	[smem:$0x3FB2] =	sst s10  }
0x35: {  	s10 =	sld [smem:$0x3FB1];
	_ =	sdelay $0x3  }
0x36: {  	p1 =	seq.s32 s10, $0x1;
	s10 =	sld [smem:$0x3FB2];
	_ =	sdelay $0x3  }
0x37: {  	[smem:$0x3FB2] =	sst s10  }
0x38: {  	s10 =	sld [smem:$0x3FB3]  }
0x39: {  	_ = 	snop;
	(pc) =	sbr.ind lr, $3  }
0x3a: {  	_ = 	snop  }
0x3b: {  	_ = 	snop  }
0x3c: {  	p2 =	seq.s32 s10, $0x1;
	s10 =	sld [smem:$0x3FB2]  }
0x3d: {  	_ =	shalt  }
0x3e: {  	_ =	shalt  }
0x3f: {  	_ =	shalt  }
0x40: {  	_ =	shalt  }
0x41: {  	_ =	shalt  }
0x42: {  	_ =	shalt  }
0x43: {  	_ =	shalt  }
0x44: {  	_ =	shalt  }
0x45: {  	_ =	shalt  }
0x46: {  	_ =	shalt  }
0x47: {  	_ =	shalt  }
0x48: {  	_ =	shalt  }
0x49: {  	_ =	shalt  }
0x4a: {  	_ =	shalt  }
0x4b: {  	_ =	shalt  }
0x4c: {  	_ =	shalt  }
0x4d: {  	_ =	shalt  }
0x4e: {  	_ =	shalt  }
0x4f: {  	_ =	shalt  }
0x50: {  	_ =	shalt  }
0x51: {  	_ =	shalt  }
0x52: {  	_ =	shalt  }
0x53: {  	_ =	shalt  }
0x54: {  	_ =	shalt  }
0x55: {  	_ =	shalt  }
0x56: {  	_ =	shalt  }
0x57: {  	_ =	shalt  }
0x58: {  	_ =	shalt  }
0x59: {  	_ =	shalt  }
0x5a: {  	_ =	shalt  }
0x5b: {  	_ =	shalt  }
0x5c: {  	_ =	shalt  }
0x5d: {  	_ =	shalt  }
0x5e: {  	_ =	shalt  }
0x5f: {  	_ =	shalt  }
0x60: {  	_ =	shalt  }
0x61: {  	_ =	shalt  }
0x62: {  	_ =	shalt  }
0x63: {  	_ =	shalt  }
0x64: {  	_ =	shalt  }
0x65: {  	_ =	shalt  }
0x66: {  	_ =	shalt  }
0x67: {  	_ =	shalt  }
0x68: {  	_ =	shalt  }
0x69: {  	_ =	shalt  }
0x6a: {  	_ =	shalt  }
0x6b: {  	_ =	shalt  }
0x6c: {  	_ =	shalt  }
0x6d: {  	_ =	shalt  }
0x6e: {  	_ =	shalt  }
0x6f: {  	_ =	shalt  }
0x70: {  	_ =	shalt  }
0x71: {  	_ =	shalt  }
0x72: {  	_ =	shalt  }
0x73: {  	_ =	shalt  }
0x74: {  	_ =	shalt  }
0x75: {  	_ =	shalt  }
0x76: {  	_ =	shalt  }
0x77: {  	_ =	shalt  }
0x78: {  	_ =	shalt  }
0x79: {  	_ =	shalt  }
0x7a: {  	_ =	shalt  }
0x7b: {  	_ =	shalt  }
0x7c: {  	_ =	shalt  }
0x7d: {  	_ =	shalt  }
0x7e: {  	_ =	shalt  }
0x7f: {  	_ =	shalt  }
0x80: {  	_ =	shalt  }
0x81: {  	_ =	shalt  }
0x82: {  	_ =	shalt  }
0x83: {  	_ =	shalt  }
0x84: {  	_ =	shalt  }
0x85: {  	_ =	shalt  }
0x86: {  	_ =	shalt  }
0x87: {  	_ =	shalt  }
.Lfunc_end0:
.L_simem_size_0:
called_computation_lowered:
.L_overlay_start_0:
0x88: {  	s2 =	sld [smem:$0x3FD9]  }
0x89: {  	s3 =	sld [smem:$0x3FFE];
	_ =	sdelay $0x1  }
0x8a: {  	s1 =	srdreg.scid  }
0x8b: {  	s0 =	sand.u32 $0x1, s1  }
0x8c: {  	s17 =	sshll.u32 s0, $0xA;
	s2 =	sadd.s32 s3, s2  }
0x8d: {  	s2 =	sadd.s32 s2, s17  }
0x8e: {  	[smem:$0x3FBE] =	sst s2  }
0x8f: {  	_ = 	snop  }
0x90: {  	s2 =	sld [smem:$0x3FD0];
	(tm) =	ssettm $0x1  }
0x91: {  	s18 =	sld [smem:$0x3FFB];
	_ =	sdelay $0x3  }
0x92: {  	_ =	strace s18  }
0x93: {  	s3 =	sld [smem:$0x3FFC];
	_ =	sdelay $0x3  }
0x94: {  	_ =	strace s3  }
0x95: {  	s3 =	sld [smem:$0x3FFD];
	_ =	sdelay $0x3  }
0x96: {  	_ =	strace s3  }
0x97: {  	_ =	strace $0x8FFFFFFF  }
0x98: {  	s19 =	sld [smem:$0x3FDB];
	_ =	sdelay $0x1  }
0x99: {  	s4 =	simm.s32 $_scs_section_size  }
0x9a: {  	s5 =	simm.s32 $_size__tile_overlayer_lowered;
	s6 =	simm.s32 $_tile_overlayer_lowered  }
0x9b: {  	s22 =	simm.s32 $0x1BFF;
	s21 =	sshll.u32 s6, $0x1;
	s3 =	sadd.s32 s4, s19  }
0x9c: {  	s7 =	simm.s32 $0x0;
	s20 =	sshll.u32 s5, $0x1;
	s5 =	sadd.s32 s21, s3  }
0x9d: {  	[timem:s7], [sflag:s22] =	dma.local [hbm:s5], s20  }
0x9e: {  	_ =	swait.ge [sflag:s22], s20  }
0x9f: {  	s4 =	ssub.s32 $0x0, s20;
	[sflag:s22] =	ssyncset.done $0x0  }
0xa0: {  	[sflag:s22] =	ssyncadd.s32 s4;
	_ =	sdelay $0x1  }
0xa1: {  	s23 =	simm.s32 $0x1B8B  }
0xa2: {  	_ =	swait.ge [sflag:s23], $0x1  }
0xa3: {  	[sflag:s23] =	ssyncset.done $0x0  }
0xa4: {  	s25 =	simm.s32 $0x1B8E;
	s24 =	sld [smem:$0x3FFE];
	[sflag:s23] =	ssyncadd.s32 $0xFFFFFFFF  }
0xa5: {  	s26 =	simm.s32 $execute0_lowered;
	[smem:$0x3FD2] =	sst s25  }
0xa6: {  	s5 =	sshll.u32 s26, $0x1;
	_ =	strace $0x80000046;
	[dreg:$0x1] =	wrdreg $0xFFFFFFFF  }
0xa7: {  	s28 =	simm.s32 $_size_execute0_lowered;
	s3 =	sadd.s32 s3, s5;
	[dreg:$0x0] =	wrdreg $0x0  }
0xa8: {  	s5 =	sshll.u32 s28, $0x1;
	[dreg:$0x2] =	wrdreg s3  }
0xa9: {  	[dreg:$0x3] =	wrdreg s5  }
0xaa: {  	[dreg:$0x4] =	wrdreg $0xC0  }
0xab: {  	_ =	task [dreg:s7], $0x5FFFF  }
0xac: {  	[dreg:$0x1] =	wrdreg $0xFFFFFFFF  }
0xad: {  	[dreg:$0x0] =	wrdreg $0x60  }
0xae: {  	[dreg:$0x2] =	wrdreg s2  }
0xaf: {  	[dreg:$0x3] =	wrdreg s24  }
0xb0: {  	[dreg:$0x4] =	wrdreg $0x9  }
0xb1: {  	_ =	task.clear_ibuf [dreg:s7], $0x5FFFF;
	_ =	strace $0x90000046  }
0xb2: {  	s29 =	simm.s32 $0x9;
	_ =	strace $0x80000048  }
0xb3: {  	_ =	swait.ge [sflag:s29], $0x1  }
0xb4: {  	[sflag:s29] =	ssyncadd.s32 $0xFFFFFFFF  }
0xb5: {  	_ =	strace $0x90000048  }
0xb6: {  	_ =	sfence  }
0xb7: {  	s30 =	sld [smem:$0x0];
	_ =	sdelay $0x2  }
0xb8: {  	s31 =	sshll.u32 s1, $0xD;
	s1 =	sshrl.u32 s1, $0x2  }
0xb9: {  	s3 =	sand.u32 $0x4000, s31;
	s1 =	sadd.s32 s1, s30  }
0xba: {  	s0 =	sor.u32 s3, s0;
	s1 =	sshll.u32 s1, $0x11  }
0xbb: {  	s0 =	sor.u32 s1, s0  }
0xbc: {  	s0 =	sadd.s32 $0x8F2B, s0  }
0xbd: {  	[sflag:s0] =	ssyncadd.remote.s32 $0x1  }
0xbe: {  	_ =	sfence.sel $0xFFFF  }
0xbf: {  	[dreg:$0x0] =	wrdreg $0xFFFFFFFF;
	(pc) =	sbr.abs _section_cstart, $3  }
0xc0: {  	[dreg:$0x1] =	wrdreg $0xFFFFFFFF  }
0xc1: {  	_ =	task.clear_ibuf [dreg:s7], $0x2FFFF;
	_ =	strace $0x9FFFFFFF  }
0xc2: {  	(tm) =	ssettm $0x7FFFFFFF  }
0xc3: {  	_ =	shalt  }
tec
execute0_lowered:
.L_overlay_start_1:
0x0: {  	(tag) =	ssettag $0x1  }
0x1: {  	s1 =	srdreg.scid;
	s3 =	rddreg [dreg:$0x0]  }
0x2: {  	s0 =	stileid.u32;
	s4 =	rddreg [dreg:$0x1]  }
0x3: {  	s2 =	simm.s32 $0x0;
	s16 =	simm.s32 $0x100;
	s17 =	simm.s32 $0x980  }
0x4: {  	s18 =	simm.s32 $0x1180;
	[smem:$0x7FF] =	sst s2;
	s7 =	sadd.s32 $0x1A00, s4  }
0x5: {  	s19 =	simm.s32 $0x1980;
	_ =	strace $0x80000047;
	[dreg:$0x3] =	wrdreg s7  }
0x6: {  	s20 =	simm.s32 $0x2180;
	s21 =	simm.s32 $0x2980;
	[dreg:$0x7] =	wrdreg s16  }
0x7: {  	s23 =	simm.s32 $0x3180;
	s24 =	simm.s32 $0x3980;
	[dreg:$0x8] =	wrdreg s17  }
0x8: {  	s25 =	simm.s32 $0x4180;
	s26 =	simm.s32 $0x4980;
	[dreg:$0x9] =	wrdreg s18  }
0x9: {  	s9 =	simm.s32 $0x5980;
	s10 =	simm.s32 $0x6180;
	[dreg:$0xa] =	wrdreg s19  }
0xa: {  	s11 =	simm.s32 $0x6980;
	s12 =	simm.s32 $0x7180;
	[dreg:$0xb] =	wrdreg s20  }
0xb: {  	s13 =	simm.s32 $0x7980;
	s28 =	simm.s32 $0xE980;
	[dreg:$0xc] =	wrdreg s21  }
0xc: {  	s29 =	simm.s32 $0xF180;
	s30 =	simm.s32 $0xF980;
	[dreg:$0xd] =	wrdreg s23  }
0xd: {  	s31 =	simm.s32 $0x1;
	s1 =	sand.u32 $0x1, s1;
	[dreg:$0xe] =	wrdreg s24  }
0xe: {  	s5 =	sshll.u32 s0, $0x8;
	s6 =	sshll.u32 s1, $0x7;
	[dreg:$0xf] =	wrdreg s25  }
0xf: {  	s1 =	ssub.s32 $0x2, s1;
	s7 =	simm.s32 $0x180;
	[dreg:$0x10] =	wrdreg s26  }
0x10: {  	s16 =	simm.s32 $0x9180;
	s17 =	simm.s32 $0x9980;
	s18 =	simm.s32 $0xA180  }
0x11: {  	s19 =	simm.s32 $0xA980;
	s20 =	simm.s32 $0xB180;
	s21 =	simm.s32 $0xB980  }
0x12: {  	s23 =	simm.s32 $0xC980;
	s24 =	simm.s32 $0xD180;
	s25 =	simm.s32 $0xD980  }
0x13: {  	s26 =	simm.s32 $0xE180;
	s5 =	sor.u32 s6, s5;
	s22 =	sshrl.u32 s1, $0x1  }
0x14: {  	s6 =	sshrl.u32 s5, $0x3;
	s5 =	sshll.u32 s5, $0x6;
	s1 =	ssub.s32 s1, s22  }
0x15: {  	s22 =	simm.s32 $0xC180;
	s6 =	sadd.s32 s6, s4;
	s3 =	sadd.s32 s3, s5  }
0x16: {  	s5 =	smax.u32 s1, $0x1;
	s1 =	simm.s32 $0x80;
	s14 =	sadd.s32 $0x1C00, s6  }
0x17: {  	v2 =	vlaneseq.u32;
	[dreg:$0x5] =	wrdreg s3;
	s15 =	sadd.s32 $0x81E00, s6;
	s3 =	sadd.s32 $0x1E00, s4  }
0x18: {  	vm0 =	vmmov $0xffff;
	v1 =	vshrl.u32 v2, $0x3;
	s4 =	sadd.s32 $0x1F00, s4;
	s6 =	simm.s32 $0x2;
	[dreg:$0x4] =	wrdreg s14  }
0x19: {  	v0 =	vand.u32 $0x7, v2;
	v2 =	vor.u32 $0x8, v2;
	v1 =	vmul.u32 $0x8, v1;
	[dreg:$0x6] =	wrdreg s15;
	s14 =	simm.s32 $0x8180;
	s15 =	simm.s32 $0x8980  }
.LBB2_1:
0x1a: {  	s0 =	rddreg [dreg:$0x3]  }
0x1b: {  	s8 =	rddreg [dreg:$0x7]  }
0x1c: {  	[tilespmem:s8], [sflag:$0x2] =	stream.linear.gather [hbm4b:s0+s2], $0x80, $0x38;
	[tilespmem:$0x10180] =	vst v63  }
0x1d: {  	_ =	swait.ge [sflag:s6], $0x80  }
0x1e: {  	[sflag:s6] =	ssyncset.done $0x0  }
0x1f: {  	s8 =	rddreg [dreg:$0x4];
	[sflag:s6] =	ssyncadd.s32 $0xFFFFFF80  }
0x20: {  	[tilespmem:s2], [sflag:$0x2] =	stream.linear.gather [hbm4b:s8+s2], $0x80, $0x38;
	[tilespmem:$0x10180] =	vst v63  }
0x21: {  	_ =	swait.ge [sflag:s6], $0x80  }
0x22: {  	[sflag:s6] =	ssyncset.done $0x0  }
0x23: {  	s8 =	rddreg [dreg:$0x5];
	[sflag:s6] =	ssyncadd.s32 $0xFFFFFF80  }
0x24: {  	[tilespmem:s7], [sflag:$0x2] =	stream.linear.gather [hbm4b:s8+s2], $0x10000, $0x38;
	[tilespmem:$0x10180] =	vst v63  }
0x25: {  	_ =	swait.ge [sflag:s6], $0x10000  }
0x26: {  	[sflag:s6] =	ssyncset.done $0x0  }
0x27: {  	[sflag:s6] =	ssyncadd.s32 $0xFFFF0000  }
0x28: {  	v3 =	vld [tilespmem:$0x0]  }
0x29: {  	v4 =	vld [tilespmem:$0x100]  }
0x2a: {  	v5 =	vld [tilespmem:$0x110]  }
0x2b: {  	v8 =	vld [tilespmem:$0x10]  }
0x2c: {  	v55 =	vld [tilespmem:$0x20]  }
0x2d: {  	v61 =	vld [tilespmem:$0x30]  }
0x2e: {  	v21 =	vld [tilespmem:$0x40]  }
0x2f: {  	v27 =	vld [tilespmem:$0x50]  }
0x30: {  	v34 =	vld [tilespmem:$0x60]  }
0x31: {  	v42 =	vld [tilespmem:$0x70];
	v7 =	vshrl.u32 v3, $0xC;
	v10 =	vshrl.u32 v3, $0x10;
	v3 =	vand.u32 $0xFFF, v3  }
0x32: {  	v6 =	vld [tilespmem:$0x120];
	v54 =	vshrl.u32 v8, $0xC;
	v57 =	vshrl.u32 v8, $0x10;
	v8 =	vand.u32 $0xFFF, v8  }
0x33: {  	v9 =	vld [tilespmem:$0x130];
	v60 =	vshrl.u32 v55, $0xC;
	v62 =	vshrl.u32 v55, $0x10;
	v20 =	vshrl.u32 v61, $0xC  }
0x34: {  	v22 =	vshrl.u32 v61, $0x10;
	v26 =	vshrl.u32 v21, $0xC;
	v29 =	vshrl.u32 v21, $0x10  }
0x35: {  	v33 =	vshrl.u32 v27, $0xC;
	v36 =	vshrl.u32 v27, $0x10;
	v40 =	vshrl.u32 v34, $0xC  }
0x36: {  	v43 =	vshrl.u32 v34, $0x10;
	v48 =	vshrl.u32 v42, $0xC;
	v7 =	vand.u32 $0xF, v7  }
0x37: {  	vm1 =	veq.s32 v10, $0x1;
	v11 =	vperm.xlane v4, v7;
	v12 =	vperm.xlane v5, v7  }
0x38: {  	v56 =	vand.u32 $0xF, v54;
	v13 =	vperm.xlane v6, v7;
	v7 =	vperm.xlane v9, v7  }
0x39: {  	v28 =	vand.u32 $0xF, v26;
	v14 =	vperm.xlane v4, v56;
	v15 =	vperm.xlane v5, v56  }
0x3a: {  	v35 =	vand.u32 $0xF, v33;
	v58 =	vperm.xlane v6, v56;
	v30 =	vperm.xlane v4, v28  }
0x3b: {  	v41 =	vand.u32 $0xF, v40;
	v31 =	vperm.xlane v6, v28;
	v37 =	vperm.xlane v4, v35  }
0x3c: {  	v54 =	vand.u32 $0xFFF, v34;
	v38 =	vperm.xlane v6, v35;
	v44 =	vperm.xlane v4, v41  }
0x3d: {  	v45 =	vperm.xlane v6, v41;
	v11 =	vsel vm1, v12, v11;
	vm1 =	veq.s32 v10, $0x2  }
0x3e: {  	v12 =	vperm.xlane v9, v28;
	v11 =	vsel vm1, v13, v11;
	vm1 =	veq.s32 v10, $0x3  }
0x3f: {  	v10 =	vperm.xlane v9, v56;
	v13 =	vand.u32 $0xFFF, v55;
	v7 =	vsel vm1, v7, v11  }
0x40: {  	vm1 =	veq.s32 v57, $0x1;
	v11 =	vand.u32 $0xF, v60;
	v3 =	vadd.s32 v3, v7  }
0x41: {  	v59 =	vsel vm1, v15, v14;
	v63 =	vperm.xlane v4, v11;
	v16 =	vperm.xlane v5, v11  }
0x42: {  	vm1 =	veq.s32 v57, $0x2;
	v18 =	vperm.xlane v6, v11;
	v11 =	vperm.xlane v9, v11  }
0x43: {  	v14 =	vand.u32 $0xFFF, v61;
	v15 =	vand.u32 $0xFFF, v21;
	v7 =	vsel vm1, v58, v59  }
0x44: {  	vm1 =	veq.s32 v57, $0x3;
	v47 =	vshll.u32 v3, $0x2;
	v49 =	vand.u32 $0x7, v3  }
0x45: {  	[tilespmem:$0x80] =	vst v3;
	v3 =	vshrl.u32 v42, $0x10;
	v7 =	vsel vm1, v10, v7;
	vm1 =	veq.s32 v62, $0x1  }
0x46: {  	v10 =	vand.u32 $0xF, v20;
	v20 =	vperm.xlane v5, v41;
	v7 =	vadd.s32 v8, v7  }
0x47: {  	v19 =	vsel vm1, v16, v63;
	v23 =	vperm.xlane v4, v10;
	v17 =	vperm.xlane v5, v10  }
0x48: {  	vm1 =	veq.s32 v62, $0x2;
	v24 =	vperm.xlane v6, v10;
	v10 =	vperm.xlane v9, v10  }
0x49: {  	v16 =	vand.u32 $0xFFF, v27;
	v8 =	vsel vm1, v18, v19;
	vm1 =	veq.s32 v62, $0x3  }
0x4a: {  	v18 =	vperm.xlane v5, v28;
	v8 =	vsel vm1, v11, v8;
	vm1 =	veq.s32 v22, $0x1  }
0x4b: {  	v19 =	vperm.xlane v5, v35;
	v25 =	vsel vm1, v17, v23;
	vm1 =	veq.s32 v22, $0x2  }
0x4c: {  	v8 =	vadd.s32 v13, v8;
	v11 =	vsel vm1, v24, v25;
	vm1 =	veq.s32 v22, $0x3  }
0x4d: {  	v13 =	vperm.xlane v9, v35;
	v10 =	vsel vm1, v10, v11;
	vm1 =	veq.s32 v29, $0x1  }
0x4e: {  	v10 =	vadd.s32 v14, v10;
	v32 =	vsel vm1, v18, v30;
	vm1 =	veq.s32 v29, $0x2  }
0x4f: {  	v14 =	vperm.xlane v9, v41;
	v11 =	vsel vm1, v31, v32;
	vm1 =	veq.s32 v29, $0x3  }
0x50: {  	v18 =	vand.u32 $0xF, v48;
	v11 =	vsel vm1, v12, v11;
	vm1 =	veq.s32 v36, $0x1  }
0x51: {  	v4 =	vperm.xlane v4, v18;
	v39 =	vsel vm1, v19, v37;
	vm1 =	veq.s32 v36, $0x2  }
0x52: {  	v5 =	vperm.xlane v5, v18;
	v12 =	vsel vm1, v38, v39;
	vm1 =	veq.s32 v36, $0x3  }
0x53: {  	v52 =	vperm.xlane v6, v18;
	v53 =	vperm.xlane v9, v18;
	v12 =	vsel vm1, v13, v12  }
0x54: {  	vm1 =	veq.s32 v43, $0x1;
	v12 =	vadd.s32 v16, v12;
	v16 =	vand.u32 $0xFFFFFFE0, v47  }
0x55: {  	v46 =	vsel vm1, v20, v44;
	vm1 =	veq.s32 v43, $0x2;
	v16 =	vor.u32 v49, v16  }
0x56: {  	[tilespmem:$0x90] =	vst v7;
	v13 =	vsel vm1, v45, v46;
	vm1 =	veq.s32 v43, $0x3;
	v51 =	vperm.xlane v16, v0  }
0x57: {  	[tilespmem:$0xA0] =	vst v8;
	v11 =	vadd.s32 v15, v11;
	v50 =	vsel vm1, v14, v13;
	vm1 =	veq.s32 v3, $0x1  }
0x58: {  	[tilespmem:$0xB0] =	vst v10;
	v4 =	vsel vm1, v5, v4;
	vm1 =	veq.s32 v3, $0x2;
	v55 =	vadd.s32 v1, v51  }
0x59: {  	[tilespmem:$0xC0] =	vst v11;
	v56 =	vperm.xlane v16, v2;
	v4 =	vsel vm1, v52, v4;
	vm1 =	veq.s32 v3, $0x3  }
0x5a: {  	[tilespmem:$0xD0] =	vst v12;
	v7 =	vadd.s32 v54, v50;
	v3 =	vand.u32 $0xFFF, v42;
	v4 =	vsel vm1, v53, v4  }
0x5b: {  	[tilespmem:$0xE0] =	vst v7;
	v3 =	vadd.s32 v3, v4  }
0x5c: {  	[tilespmem:$0xF0] =	vst v3;
	v3 =	vadd.s32 v1, v56  }
0x5d: {  	[hbm4b:s3+s2] =	stream.indirect_vreg.scatter [tilespmem:s7], [sflag:$0x1], $0x80, v55, vm0, $0xb8;
	[tilespmem:$0x10180] =	vst v63  }
0x5e: {  	s0 =	rddreg [dreg:$0x8]  }
0x5f: {  	[hbm4b:s4+s2] =	stream.indirect_vreg.scatter [tilespmem:s0], [sflag:$0x1], $0x80, v55, vm0, $0xb8;
	[tilespmem:$0x10180] =	vst v63  }
0x60: {  	s8 =	rddreg [dreg:$0x9]  }
0x61: {  	[hbm4b:s3+s2] =	stream.indirect_vreg.scatter [tilespmem:s8], [sflag:$0x1], $0x80, v3, vm0, $0xb8;
	[tilespmem:$0x10180] =	vst v63  }
0x62: {  	s0 =	rddreg [dreg:$0xa]  }
0x63: {  	[hbm4b:s4+s2] =	stream.indirect_vreg.scatter [tilespmem:s0], [sflag:$0x1], $0x80, v3, vm0, $0xb8;
	[tilespmem:$0x10180] =	vst v63  }
0x64: {  	v3 =	vld [tilespmem:$0x90];
	_ =	sdelay $0x4  }
0x65: {  	v57 =	vshll.u32 v3, $0x2  }
0x66: {  	v3 =	vand.u32 $0x7, v3;
	v4 =	vand.u32 $0xFFFFFFE0, v57  }
0x67: {  	v3 =	vor.u32 v3, v4  }
0x68: {  	v4 =	vperm.xlane v3, v0;
	_ =	sdelay $0x1  }
0x69: {  	v4 =	vadd.s32 v1, v4;
	_ =	sdelay $0x1  }
0x6a: {  	v3 =	vperm.xlane v3, v2;
	_ =	sdelay $0x1  }
0x6b: {  	s0 =	rddreg [dreg:$0xb];
	v3 =	vadd.s32 v1, v3  }
0x6c: {  	[hbm4b:s3+s2] =	stream.indirect_vreg.scatter [tilespmem:s0], [sflag:$0x1], $0x80, v4, vm0, $0xb8;
	[tilespmem:$0x10180] =	vst v63  }
0x6d: {  	s8 =	rddreg [dreg:$0xc]  }
0x6e: {  	[hbm4b:s4+s2] =	stream.indirect_vreg.scatter [tilespmem:s8], [sflag:$0x1], $0x80, v4, vm0, $0xb8;
	[tilespmem:$0x10180] =	vst v63  }
0x6f: {  	s0 =	rddreg [dreg:$0xd]  }
0x70: {  	[hbm4b:s3+s2] =	stream.indirect_vreg.scatter [tilespmem:s0], [sflag:$0x1], $0x80, v3, vm0, $0xb8;
	[tilespmem:$0x10180] =	vst v63  }
0x71: {  	s8 =	rddreg [dreg:$0xe]  }
0x72: {  	[hbm4b:s4+s2] =	stream.indirect_vreg.scatter [tilespmem:s8], [sflag:$0x1], $0x80, v3, vm0, $0xb8;
	[tilespmem:$0x10180] =	vst v63  }
0x73: {  	v3 =	vld [tilespmem:$0xA0];
	_ =	sdelay $0x4  }
0x74: {  	v58 =	vshll.u32 v3, $0x2  }
0x75: {  	v3 =	vand.u32 $0x7, v3;
	v4 =	vand.u32 $0xFFFFFFE0, v58  }
0x76: {  	v3 =	vor.u32 v3, v4  }
0x77: {  	v4 =	vperm.xlane v3, v0;
	_ =	sdelay $0x1  }
0x78: {  	v4 =	vadd.s32 v1, v4;
	_ =	sdelay $0x1  }
0x79: {  	v3 =	vperm.xlane v3, v2;
	_ =	sdelay $0x1  }
0x7a: {  	s0 =	rddreg [dreg:$0xf];
	v3 =	vadd.s32 v1, v3  }
0x7b: {  	[hbm4b:s3+s2] =	stream.indirect_vreg.scatter [tilespmem:s0], [sflag:$0x1], $0x80, v4, vm0, $0xb8;
	[tilespmem:$0x10180] =	vst v63  }
0x7c: {  	s8 =	rddreg [dreg:$0x10]  }
0x7d: {  	[hbm4b:s4+s2] =	stream.indirect_vreg.scatter [tilespmem:s8], [sflag:$0x1], $0x80, v4, vm0, $0xb8;
	[tilespmem:$0x10180] =	vst v63  }
0x7e: {  	s8 =	simm.s32 $0x5180  }
0x7f: {  	[hbm4b:s3+s2] =	stream.indirect_vreg.scatter [tilespmem:s8], [sflag:$0x1], $0x80, v3, vm0, $0xb8;
	[tilespmem:$0x10180] =	vst v63  }
0x80: {  	_ = 	snop  }
0x81: {  	[hbm4b:s4+s2] =	stream.indirect_vreg.scatter [tilespmem:s9], [sflag:$0x1], $0x80, v3, vm0, $0xb8;
	[tilespmem:$0x10180] =	vst v63  }
0x82: {  	v3 =	vld [tilespmem:$0xB0];
	_ =	sdelay $0x4  }
0x83: {  	v59 =	vshll.u32 v3, $0x2  }
0x84: {  	v3 =	vand.u32 $0x7, v3;
	v4 =	vand.u32 $0xFFFFFFE0, v59  }
0x85: {  	v3 =	vor.u32 v3, v4  }
0x86: {  	v4 =	vperm.xlane v3, v0;
	_ =	sdelay $0x1  }
0x87: {  	v4 =	vadd.s32 v1, v4;
	_ =	sdelay $0x1  }
0x88: {  	v3 =	vperm.xlane v3, v2;
	_ =	sdelay $0x1  }
0x89: {  	v3 =	vadd.s32 v1, v3  }
0x8a: {  	[hbm4b:s3+s2] =	stream.indirect_vreg.scatter [tilespmem:s10], [sflag:$0x1], $0x80, v4, vm0, $0xb8;
	[tilespmem:$0x10180] =	vst v63  }
0x8b: {  	_ = 	snop  }
0x8c: {  	[hbm4b:s4+s2] =	stream.indirect_vreg.scatter [tilespmem:s11], [sflag:$0x1], $0x80, v4, vm0, $0xb8;
	[tilespmem:$0x10180] =	vst v63  }
0x8d: {  	_ = 	snop  }
0x8e: {  	[hbm4b:s3+s2] =	stream.indirect_vreg.scatter [tilespmem:s12], [sflag:$0x1], $0x80, v3, vm0, $0xb8;
	[tilespmem:$0x10180] =	vst v63  }
0x8f: {  	_ = 	snop  }
0x90: {  	[hbm4b:s4+s2] =	stream.indirect_vreg.scatter [tilespmem:s13], [sflag:$0x1], $0x80, v3, vm0, $0xb8;
	[tilespmem:$0x10180] =	vst v63  }
0x91: {  	v3 =	vld [tilespmem:$0xC0];
	_ =	sdelay $0x4  }
0x92: {  	v60 =	vshll.u32 v3, $0x2  }
0x93: {  	v3 =	vand.u32 $0x7, v3;
	v4 =	vand.u32 $0xFFFFFFE0, v60  }
0x94: {  	v3 =	vor.u32 v3, v4  }
0x95: {  	v4 =	vperm.xlane v3, v0;
	_ =	sdelay $0x1  }
0x96: {  	v4 =	vadd.s32 v1, v4;
	_ =	sdelay $0x1  }
0x97: {  	v3 =	vperm.xlane v3, v2;
	_ =	sdelay $0x1  }
0x98: {  	v3 =	vadd.s32 v1, v3  }
0x99: {  	[hbm4b:s3+s2] =	stream.indirect_vreg.scatter [tilespmem:s14], [sflag:$0x1], $0x80, v4, vm0, $0xb8;
	[tilespmem:$0x10180] =	vst v63  }
0x9a: {  	_ = 	snop  }
0x9b: {  	[hbm4b:s4+s2] =	stream.indirect_vreg.scatter [tilespmem:s15], [sflag:$0x1], $0x80, v4, vm0, $0xb8;
	[tilespmem:$0x10180] =	vst v63  }
0x9c: {  	_ = 	snop  }
0x9d: {  	[hbm4b:s3+s2] =	stream.indirect_vreg.scatter [tilespmem:s16], [sflag:$0x1], $0x80, v3, vm0, $0xb8;
	[tilespmem:$0x10180] =	vst v63  }
0x9e: {  	_ = 	snop  }
0x9f: {  	[hbm4b:s4+s2] =	stream.indirect_vreg.scatter [tilespmem:s17], [sflag:$0x1], $0x80, v3, vm0, $0xb8;
	[tilespmem:$0x10180] =	vst v63  }
0xa0: {  	v3 =	vld [tilespmem:$0xD0];
	_ =	sdelay $0x4  }
0xa1: {  	v61 =	vshll.u32 v3, $0x2  }
0xa2: {  	v3 =	vand.u32 $0x7, v3;
	v4 =	vand.u32 $0xFFFFFFE0, v61  }
0xa3: {  	v3 =	vor.u32 v3, v4  }
0xa4: {  	v4 =	vperm.xlane v3, v0;
	_ =	sdelay $0x1  }
0xa5: {  	v4 =	vadd.s32 v1, v4;
	_ =	sdelay $0x1  }
0xa6: {  	v3 =	vperm.xlane v3, v2;
	_ =	sdelay $0x1  }
0xa7: {  	v3 =	vadd.s32 v1, v3  }
0xa8: {  	[hbm4b:s3+s2] =	stream.indirect_vreg.scatter [tilespmem:s18], [sflag:$0x1], $0x80, v4, vm0, $0xb8;
	[tilespmem:$0x10180] =	vst v63  }
0xa9: {  	_ = 	snop  }
0xaa: {  	[hbm4b:s4+s2] =	stream.indirect_vreg.scatter [tilespmem:s19], [sflag:$0x1], $0x80, v4, vm0, $0xb8;
	[tilespmem:$0x10180] =	vst v63  }
0xab: {  	_ = 	snop  }
0xac: {  	[hbm4b:s3+s2] =	stream.indirect_vreg.scatter [tilespmem:s20], [sflag:$0x1], $0x80, v3, vm0, $0xb8;
	[tilespmem:$0x10180] =	vst v63  }
0xad: {  	_ = 	snop  }
0xae: {  	[hbm4b:s4+s2] =	stream.indirect_vreg.scatter [tilespmem:s21], [sflag:$0x1], $0x80, v3, vm0, $0xb8;
	[tilespmem:$0x10180] =	vst v63  }
0xaf: {  	v3 =	vld [tilespmem:$0xE0];
	_ =	sdelay $0x4  }
0xb0: {  	v62 =	vshll.u32 v3, $0x2  }
0xb1: {  	v3 =	vand.u32 $0x7, v3;
	v4 =	vand.u32 $0xFFFFFFE0, v62  }
0xb2: {  	v3 =	vor.u32 v3, v4  }
0xb3: {  	v4 =	vperm.xlane v3, v0;
	_ =	sdelay $0x1  }
0xb4: {  	v4 =	vadd.s32 v1, v4;
	_ =	sdelay $0x1  }
0xb5: {  	v3 =	vperm.xlane v3, v2;
	_ =	sdelay $0x1  }
0xb6: {  	v3 =	vadd.s32 v1, v3  }
0xb7: {  	[hbm4b:s3+s2] =	stream.indirect_vreg.scatter [tilespmem:s22], [sflag:$0x1], $0x80, v4, vm0, $0xb8;
	[tilespmem:$0x10180] =	vst v63  }
0xb8: {  	_ = 	snop  }
0xb9: {  	[hbm4b:s4+s2] =	stream.indirect_vreg.scatter [tilespmem:s23], [sflag:$0x1], $0x80, v4, vm0, $0xb8;
	[tilespmem:$0x10180] =	vst v63  }
0xba: {  	_ = 	snop  }
0xbb: {  	[hbm4b:s3+s2] =	stream.indirect_vreg.scatter [tilespmem:s24], [sflag:$0x1], $0x80, v3, vm0, $0xb8;
	[tilespmem:$0x10180] =	vst v63  }
0xbc: {  	_ = 	snop  }
0xbd: {  	[hbm4b:s4+s2] =	stream.indirect_vreg.scatter [tilespmem:s25], [sflag:$0x1], $0x80, v3, vm0, $0xb8;
	[tilespmem:$0x10180] =	vst v63  }
0xbe: {  	v3 =	vld [tilespmem:$0xF0];
	_ =	sdelay $0x4  }
0xbf: {  	v63 =	vshll.u32 v3, $0x2  }
0xc0: {  	v3 =	vand.u32 $0x7, v3;
	v4 =	vand.u32 $0xFFFFFFE0, v63  }
0xc1: {  	v3 =	vor.u32 v3, v4  }
0xc2: {  	v4 =	vperm.xlane v3, v0;
	_ =	sdelay $0x1  }
0xc3: {  	v4 =	vadd.s32 v1, v4;
	_ =	sdelay $0x1  }
0xc4: {  	v3 =	vperm.xlane v3, v2;
	_ =	sdelay $0x1  }
0xc5: {  	v3 =	vadd.s32 v1, v3  }
0xc6: {  	[hbm4b:s3+s2] =	stream.indirect_vreg.scatter [tilespmem:s26], [sflag:$0x1], $0x80, v4, vm0, $0xb8;
	[tilespmem:$0x10180] =	vst v63  }
0xc7: {  	_ = 	snop  }
0xc8: {  	[hbm4b:s4+s2] =	stream.indirect_vreg.scatter [tilespmem:s28], [sflag:$0x1], $0x80, v4, vm0, $0xb8;
	[tilespmem:$0x10180] =	vst v63  }
0xc9: {  	_ = 	snop  }
0xca: {  	[hbm4b:s3+s2] =	stream.indirect_vreg.scatter [tilespmem:s29], [sflag:$0x1], $0x80, v3, vm0, $0xb8;
	[tilespmem:$0x10180] =	vst v63  }
0xcb: {  	_ = 	snop  }
0xcc: {  	[hbm4b:s4+s2] =	stream.indirect_vreg.scatter [tilespmem:s30], [sflag:$0x1], $0x80, v3, vm0, $0xb8;
	[tilespmem:$0x10180] =	vst v63  }
0xcd: {  	_ =	swait.ge [sflag:s31], $0x10000  }
0xce: {  	p0 =	sne.s32 s5, $0x1;
	[sflag:s31] =	ssyncset.done $0x0  }
.Ltmp0:
0xcf: {  	s8 =	rddreg [dreg:$0x6];
	[sflag:s31] =	ssyncadd.s32 $0xFFFF0000;
	(pc) =	sbr.rel @p0 .LBB2_1-.Ltmp0, $4  }
0xd0: {  	[hbm4b:s8+s2] =	stream.linear.scatter [tilespmem:s1], [sflag:$0x2], $0x80, $0x38;
	[tilespmem:$0x10180] =	vst v63  }
0xd1: {  	_ =	swait.ge [sflag:s6], $0x80  }
0xd2: {  	[sflag:s6] =	ssyncset.done $0x0  }
0xd3: {  	s5 =	sadd.s32 $0xFFFFFFFF, s5;
	[sflag:s6] =	ssyncadd.s32 $0xFFFFFF80  }
0xd4: {  	_ =	sfence.sel $0x180000  }
0xd5: {  	[bflag:$0x0] =	sbarrier.arrive $0xFFFF  }
0xd6: {  	_ =	strace $0x90000047  }
0xd7: {  	s0 =	stileid.u32;
	[bflag:$0x2] =	sbarrier.arrive $0xFFFF  }
0xd8: {  	p0 =	sne.s32 s0, $0x0;
	s0 =	rddreg [dreg:$0x2]  }
0xd9: {  	s0 =	sadd.s32 @!p0 $0x100000, s0  }
0xda: {  	[sflag:s0] =	ssyncadd.tile.s32 @!p0 $0x1;
	_ =	shalt  }
.Lfunc_end2:
_tile_overlayer_lowered:
.L_overlay_start_2:
0xdb: {  	(tag) =	ssettag $0x2  }
0xdc: {  	s0 =	rddreg [dreg:$0x0];
	s2 =	stileid.u32  }
0xdd: {  	s1 =	rddreg [dreg:$0x1];
	p0 =	sne.s32 s2, $0x0  }
0xde: {  	s3 =	rddreg [dreg:$0x2];
	[bflag:$0x3] =	sbarrier.arrive $0xFFFF;
	s2 =	simm.s32 @!p0 $0x1C02  }
0xdf: {  	[timem:s3], [sflag:s2] =	dma.local @!p0 [hbm:s0], s1  }
0xe0: {  	s0 =	simm.s32 @!p0 $0x2  }
0xe1: {  	_ =	swait.ge @!p0 [sflag:s0], s1  }
0xe2: {  	s1 =	ssub.s32 @!p0 $0x0, s1;
	[sflag:s0] =	ssyncset.done @!p0 $0x0  }
0xe3: {  	[sflag:s0] =	ssyncadd.s32 @!p0 s1  }
0xe4: {  	[bflag:$0x3] =	sbarrier.arrive $0xFFFF  }
0xe5: {  	_ =	shalt  }

// kernel: kernel.9.cloned.1.call-start
scs
__scs_entry_jumppad:
0x0: {  	(pc) =	sbr.rel $0x88, $3  }
0x1: {  	(tag) =	ssettag $0x0;
	lr =	simm.s32 $0x1  }
0x2: {  	[smem:$0x3F97] =	sst lr;
	_ =	strace $0xD0000000  }
0x3: {  	_ = 	snop  }
0x4: {  	_ = 	snop  }
0x5: {  	_ = 	snop  }
0x6: {  	_ = 	snop  }
0x7: {  	_ = 	snop  }
__scs_overlays_trampoline_lowered:
0x8: {  	[smem:$0x3FA6] =	sst s0  }
0x9: {  	[smem:$0x3FA7] =	sst s1  }
0xa: {  	[smem:$0x3FA8] =	sst s2  }
0xb: {  	[smem:$0x3FA9] =	sst s3  }
0xc: {  	[smem:$0x3FAA] =	sst s4  }
0xd: {  	[smem:$0x3FAB] =	sst s5  }
0xe: {  	[smem:$0x3FAC] =	sst s6  }
0xf: {  	[smem:$0x3FAD] =	sst s7  }
0x10: {  	[smem:$0x3FAE] =	sst s8  }
0x11: {  	[smem:$0x3FAF] =	sst s9;
	s0 =	simm.s32 @!p0 $0x0  }
0x12: {  	s1 =	sld [smem:$0x3F95];
	s0 =	simm.s32 @p0 $0x1  }
0x13: {  	[smem:$0x3FB0] =	sst s0;
	s0 =	simm.s32 @!p1 $0x0  }
0x14: {  	s2 =	sld [smem:$0x3F94];
	s0 =	simm.s32 @p1 $0x1  }
0x15: {  	[smem:$0x3FB1] =	sst s0;
	s0 =	simm.s32 @!p2 $0x0  }
0x16: {  	s3 =	sld [smem:$0x3FDB];
	s0 =	simm.s32 @p2 $0x1  }
0x17: {  	s4 =	simm.s32 $0x1BF5;
	[smem:$0x3FB3] =	sst s0  }
0x18: {  	s0 =	sld [smem:$0x3F96];
	_ =	swait.ge [sflag:s4], $0x0  }
0x19: {  	s7 =	sld [smem:$0x3F97]  }
0x1a: {  	s8 =	sadd.s32 $0xFFFFE003, lr  }
0x1b: {  	s9 =	sadd.s32 $0xFFFFFEF7, lr;
	s5 =	simm.s32 $0xFFFFFFFF;
	p2 =	slt.u32 s8, $0xFFFFF086  }
0x1c: {  	p1 =	slt.u32 s9, $0xF7A;
	s5 =	simm.s32 @!p2 $0x0  }
0x1d: {  	s5 =	simm.s32 @p1 $0x1;
	p0 =	seq.s32 s7, s2  }
0x1e: {  	s7 =	smul.u32 @!p0 $0xF7A, s2;
	p2 =	seq.s32 @!p0 s5, $0x0  }
0x1f: {  	s9 =	smul.u32 $0xF7A, s1;
	s8 =	simm.s32 @!p0 $0x1BF5;
	p2 =	por !p2, p0  }
0x20: {  	[sflag:s8] =	ssyncset.s32 @!p0 $0xFFFFF086;
	s6 =	sadd.s32 @!p0 s3, s7;
	s7 =	simm.s32 @!p0 $0x108  }
0x21: {  	s3 =	sadd.s32 s3, s9;
	s6 =	sadd.s32 @!p0 $0x88, s6;
	s7 =	simm.s32 @p2 $0x1082  }
0x22: {  	[simem:s7], [sflag:s8] =	dma.local @!p0 [hbm:s6], $0xF7A  }
0x23: {  	s9 =	sor.u32 $0xD0000000, s2;
	s6 =	simm.s32 $0x108;
	_ =	swait.ge @!p0 [sflag:s8], $0x0  }
0x24: {  	s3 =	sadd.s32 $0x88, s3;
	s6 =	simm.s32 @!p1 $0x1082;
	[sflag:s4] =	ssyncset.s32 $0xFFFFF086  }
0x25: {  	[simem:s6], [sflag:s4] =	dma.local [hbm:s3], $0xF7A  }
0x26: {  	[smem:$0x3F97] =	sst s1;
	(tag) =	ssettag s2;
	_ =	strace s9  }
0x27: {  	s1 =	sld [smem:$0x3FA7]  }
0x28: {  	s2 =	sld [smem:$0x3FA8]  }
0x29: {  	s4 =	sld [smem:$0x3FAA]  }
0x2a: {  	p0 =	seq.s32 s5, $0x0;
	s5 =	sld [smem:$0x3FAB]  }
0x2b: {  	s6 =	sld [smem:$0x3FAC]  }
0x2c: {  	s7 =	sld [smem:$0x3FAD]  }
0x2d: {  	s3 =	simm.s32 $0x108;
	s8 =	sld [smem:$0x3FAE]  }
0x2e: {  	s3 =	simm.s32 @!p0 $0x1082;
	s9 =	sld [smem:$0x3FAF]  }
0x2f: {  	lr =	sadd.s32 s0, s3;
	s0 =	sld [smem:$0x3FA6]  }
0x30: {  	s3 =	sld [smem:$0x3FA9]  }
0x31: {  	[smem:$0x3FB2] =	sst s10  }
0x32: {  	s10 =	sld [smem:$0x3FB0];
	_ =	sdelay $0x3  }
0x33: {  	p0 =	seq.s32 s10, $0x1;
	s10 =	sld [smem:$0x3FB2];
	_ =	sdelay $0x3  }
0x34: {  	[smem:$0x3FB2] =	sst s10  }
0x35: {  	s10 =	sld [smem:$0x3FB1];
	_ =	sdelay $0x3  }
0x36: {  	p1 =	seq.s32 s10, $0x1;
	s10 =	sld [smem:$0x3FB2];
	_ =	sdelay $0x3  }
0x37: {  	[smem:$0x3FB2] =	sst s10  }
0x38: {  	s10 =	sld [smem:$0x3FB3]  }
0x39: {  	_ = 	snop;
	(pc) =	sbr.ind lr, $3  }
0x3a: {  	_ = 	snop  }
0x3b: {  	_ = 	snop  }
0x3c: {  	p2 =	seq.s32 s10, $0x1;
	s10 =	sld [smem:$0x3FB2]  }
0x3d: {  	_ =	shalt  }
0x3e: {  	_ =	shalt  }
0x3f: {  	_ =	shalt  }
0x40: {  	_ =	shalt  }
0x41: {  	_ =	shalt  }
0x42: {  	_ =	shalt  }
0x43: {  	_ =	shalt  }
0x44: {  	_ =	shalt  }
0x45: {  	_ =	shalt  }
0x46: {  	_ =	shalt  }
0x47: {  	_ =	shalt  }
0x48: {  	_ =	shalt  }
0x49: {  	_ =	shalt  }
0x4a: {  	_ =	shalt  }
0x4b: {  	_ =	shalt  }
0x4c: {  	_ =	shalt  }
0x4d: {  	_ =	shalt  }
0x4e: {  	_ =	shalt  }
0x4f: {  	_ =	shalt  }
0x50: {  	_ =	shalt  }
0x51: {  	_ =	shalt  }
0x52: {  	_ =	shalt  }
0x53: {  	_ =	shalt  }
0x54: {  	_ =	shalt  }
0x55: {  	_ =	shalt  }
0x56: {  	_ =	shalt  }
0x57: {  	_ =	shalt  }
0x58: {  	_ =	shalt  }
0x59: {  	_ =	shalt  }
0x5a: {  	_ =	shalt  }
0x5b: {  	_ =	shalt  }
0x5c: {  	_ =	shalt  }
0x5d: {  	_ =	shalt  }
0x5e: {  	_ =	shalt  }
0x5f: {  	_ =	shalt  }
0x60: {  	_ =	shalt  }
0x61: {  	_ =	shalt  }
0x62: {  	_ =	shalt  }
0x63: {  	_ =	shalt  }
0x64: {  	_ =	shalt  }
0x65: {  	_ =	shalt  }
0x66: {  	_ =	shalt  }
0x67: {  	_ =	shalt  }
0x68: {  	_ =	shalt  }
0x69: {  	_ =	shalt  }
0x6a: {  	_ =	shalt  }
0x6b: {  	_ =	shalt  }
0x6c: {  	_ =	shalt  }
0x6d: {  	_ =	shalt  }
0x6e: {  	_ =	shalt  }
0x6f: {  	_ =	shalt  }
0x70: {  	_ =	shalt  }
0x71: {  	_ =	shalt  }
0x72: {  	_ =	shalt  }
0x73: {  	_ =	shalt  }
0x74: {  	_ =	shalt  }
0x75: {  	_ =	shalt  }
0x76: {  	_ =	shalt  }
0x77: {  	_ =	shalt  }
0x78: {  	_ =	shalt  }
0x79: {  	_ =	shalt  }
0x7a: {  	_ =	shalt  }
0x7b: {  	_ =	shalt  }
0x7c: {  	_ =	shalt  }
0x7d: {  	_ =	shalt  }
0x7e: {  	_ =	shalt  }
0x7f: {  	_ =	shalt  }
0x80: {  	_ =	shalt  }
0x81: {  	_ =	shalt  }
0x82: {  	_ =	shalt  }
0x83: {  	_ =	shalt  }
0x84: {  	_ =	shalt  }
0x85: {  	_ =	shalt  }
0x86: {  	_ =	shalt  }
0x87: {  	_ =	shalt  }
.Lfunc_end0:
.L_simem_size_0:
called_computation.1_lowered:
.L_overlay_start_0:
0x88: {  	s2 =	sld [smem:$0x3FD9]  }
0x89: {  	s3 =	sld [smem:$0x3FFE];
	_ =	sdelay $0x1  }
0x8a: {  	s1 =	srdreg.scid  }
0x8b: {  	s0 =	sand.u32 $0x1, s1  }
0x8c: {  	s17 =	sshll.u32 s0, $0xA;
	s2 =	sadd.s32 s3, s2  }
0x8d: {  	s2 =	sadd.s32 s2, s17  }
0x8e: {  	[smem:$0x3FBE] =	sst s2  }
0x8f: {  	_ = 	snop  }
0x90: {  	s2 =	sld [smem:$0x3FD0];
	(tm) =	ssettm $0x1  }
0x91: {  	s18 =	sld [smem:$0x3FFB];
	_ =	sdelay $0x3  }
0x92: {  	_ =	strace s18  }
0x93: {  	s3 =	sld [smem:$0x3FFC];
	_ =	sdelay $0x3  }
0x94: {  	_ =	strace s3  }
0x95: {  	s3 =	sld [smem:$0x3FFD];
	_ =	sdelay $0x3  }
0x96: {  	_ =	strace s3  }
0x97: {  	_ =	strace $0x8FFFFFFF  }
0x98: {  	s19 =	sld [smem:$0x3FDB];
	_ =	sdelay $0x1  }
0x99: {  	s4 =	simm.s32 $_scs_section_size  }
0x9a: {  	s5 =	simm.s32 $_size__tile_overlayer_lowered;
	s6 =	simm.s32 $_tile_overlayer_lowered  }
0x9b: {  	s22 =	simm.s32 $0x1BFF;
	s21 =	sshll.u32 s6, $0x1;
	s3 =	sadd.s32 s4, s19  }
0x9c: {  	s7 =	simm.s32 $0x0;
	s20 =	sshll.u32 s5, $0x1;
	s5 =	sadd.s32 s21, s3  }
0x9d: {  	[timem:s7], [sflag:s22] =	dma.local [hbm:s5], s20  }
0x9e: {  	_ =	swait.ge [sflag:s22], s20  }
0x9f: {  	s4 =	ssub.s32 $0x0, s20;
	[sflag:s22] =	ssyncset.done $0x0  }
0xa0: {  	[sflag:s22] =	ssyncadd.s32 s4;
	_ =	sdelay $0x1  }
0xa1: {  	s23 =	simm.s32 $0x1B8B  }
0xa2: {  	_ =	swait.ge [sflag:s23], $0x1  }
0xa3: {  	[sflag:s23] =	ssyncset.done $0x0  }
0xa4: {  	s25 =	simm.s32 $0x1B8E;
	s24 =	sld [smem:$0x3FFE];
	[sflag:s23] =	ssyncadd.s32 $0xFFFFFFFF  }
0xa5: {  	s26 =	simm.s32 $execute0_lowered;
	[smem:$0x3FD2] =	sst s25  }
0xa6: {  	s5 =	sshll.u32 s26, $0x1;
	_ =	strace $0x80000049;
	[dreg:$0x1] =	wrdreg $0xFFFFFFFF  }
0xa7: {  	s28 =	simm.s32 $_size_execute0_lowered;
	s3 =	sadd.s32 s3, s5;
	[dreg:$0x0] =	wrdreg $0x0  }
0xa8: {  	s5 =	sshll.u32 s28, $0x1;
	[dreg:$0x2] =	wrdreg s3  }
0xa9: {  	[dreg:$0x3] =	wrdreg s5  }
0xaa: {  	[dreg:$0x4] =	wrdreg $0xC0  }
0xab: {  	_ =	task [dreg:s7], $0x5FFFF  }
0xac: {  	[dreg:$0x1] =	wrdreg $0xFFFFFFFF  }
0xad: {  	[dreg:$0x0] =	wrdreg $0x60  }
0xae: {  	[dreg:$0x2] =	wrdreg s24  }
0xaf: {  	[dreg:$0x3] =	wrdreg s2  }
0xb0: {  	[dreg:$0x4] =	wrdreg $0x9  }
0xb1: {  	_ =	task.clear_ibuf [dreg:s7], $0x5FFFF;
	_ =	strace $0x90000049  }
0xb2: {  	s29 =	simm.s32 $0x9;
	_ =	strace $0x8000004B  }
0xb3: {  	_ =	swait.ge [sflag:s29], $0x1  }
0xb4: {  	[sflag:s29] =	ssyncadd.s32 $0xFFFFFFFF  }
0xb5: {  	_ =	strace $0x9000004B  }
0xb6: {  	_ =	sfence  }
0xb7: {  	s30 =	sld [smem:$0x0];
	_ =	sdelay $0x2  }
0xb8: {  	s31 =	sshll.u32 s1, $0xD;
	s1 =	sshrl.u32 s1, $0x2  }
0xb9: {  	s3 =	sand.u32 $0x4000, s31;
	s1 =	sadd.s32 s1, s30  }
0xba: {  	s0 =	sor.u32 s3, s0;
	s1 =	sshll.u32 s1, $0x11  }
0xbb: {  	s0 =	sor.u32 s1, s0  }
0xbc: {  	s0 =	sadd.s32 $0x8F2B, s0  }
0xbd: {  	[sflag:s0] =	ssyncadd.remote.s32 $0x1  }
0xbe: {  	_ =	sfence.sel $0xFFFF  }
0xbf: {  	[dreg:$0x0] =	wrdreg $0xFFFFFFFF;
	(pc) =	sbr.abs _section_cstart, $3  }
0xc0: {  	[dreg:$0x1] =	wrdreg $0xFFFFFFFF  }
0xc1: {  	_ =	task.clear_ibuf [dreg:s7], $0x2FFFF;
	_ =	strace $0x9FFFFFFF  }
0xc2: {  	(tm) =	ssettm $0x7FFFFFFF  }
0xc3: {  	_ =	shalt  }
tec
execute0_lowered:
.L_overlay_start_1:
0x0: {  	(tag) =	ssettag $0x1  }
0x1: {  	s2 =	srdreg.scid;
	s1 =	rddreg [dreg:$0x0]  }
0x2: {  	s3 =	rddreg [dreg:$0x1];
	s4 =	sand.u32 $0x1, s2;
	s2 =	simm.s32 $0x0  }
0x3: {  	s0 =	stileid.u32;
	s25 =	simm.s32 $0x880;
	[smem:$0x7FF] =	sst s2  }
0x4: {  	s26 =	simm.s32 $0x1080;
	_ =	strace $0x8000004A;
	[dreg:$0x5] =	wrdreg s25  }
0x5: {  	s5 =	sshll.u32 s0, $0x5;
	s0 =	simm.s32 $0x1880;
	[dreg:$0x6] =	wrdreg s26  }
0x6: {  	s7 =	simm.s32 $0x3080;
	[dreg:$0x7] =	wrdreg s0  }
0x7: {  	s8 =	simm.s32 $0x3880;
	[dreg:$0xa] =	wrdreg s7  }
0x8: {  	s9 =	simm.s32 $0x4080;
	[dreg:$0xb] =	wrdreg s8  }
0x9: {  	s10 =	simm.s32 $0x4880;
	[dreg:$0xc] =	wrdreg s9  }
0xa: {  	s11 =	simm.s32 $0x5080;
	[dreg:$0xd] =	wrdreg s10  }
0xb: {  	s12 =	simm.s32 $0x5880;
	[dreg:$0xe] =	wrdreg s11  }
0xc: {  	s13 =	simm.s32 $0x6080;
	[dreg:$0xf] =	wrdreg s12  }
0xd: {  	s14 =	simm.s32 $0x6880;
	[dreg:$0x10] =	wrdreg s13  }
0xe: {  	s15 =	simm.s32 $0x7080;
	[dreg:$0x11] =	wrdreg s14  }
0xf: {  	s16 =	simm.s32 $0x7880;
	s17 =	simm.s32 $0x8080;
	[dreg:$0x12] =	wrdreg s15  }
0x10: {  	s18 =	simm.s32 $0x8880;
	s19 =	simm.s32 $0x9080;
	[dreg:$0x13] =	wrdreg s16  }
0x11: {  	s21 =	simm.s32 $0x9880;
	s22 =	simm.s32 $0xA080;
	[dreg:$0x14] =	wrdreg s17  }
0x12: {  	s23 =	simm.s32 $0xB080;
	s24 =	simm.s32 $0xB880;
	[dreg:$0x15] =	wrdreg s18  }
0x13: {  	s28 =	simm.s32 $0x16080;
	s29 =	simm.s32 $0x16880;
	[dreg:$0x16] =	wrdreg s19  }
0x14: {  	s30 =	simm.s32 $0x17080;
	s31 =	simm.s32 $0x17880;
	[dreg:$0x17] =	wrdreg s21  }
0x15: {  	s6 =	sshll.u32 s4, $0x4;
	s4 =	ssub.s32 $0x2, s4;
	[dreg:$0x18] =	wrdreg s22  }
0x16: {  	s5 =	sor.u32 s6, s5;
	s20 =	sshrl.u32 s4, $0x1;
	[dreg:$0x1a] =	wrdreg s23  }
0x17: {  	s7 =	simm.s32 $0xA880;
	[dreg:$0x1b] =	wrdreg s24;
	s25 =	simm.s32 $0xC080  }
0x18: {  	s8 =	simm.s32 $0x80;
	s26 =	simm.s32 $0xC880;
	s10 =	simm.s32 $0xD880  }
0x19: {  	s11 =	simm.s32 $0xE080;
	s12 =	simm.s32 $0xE880;
	s13 =	simm.s32 $0xF080  }
0x1a: {  	s14 =	simm.s32 $0xF880;
	s15 =	simm.s32 $0x10080;
	s16 =	simm.s32 $0x10880  }
0x1b: {  	s17 =	simm.s32 $0x11080;
	s18 =	simm.s32 $0x11880;
	s19 =	simm.s32 $0x12080  }
0x1c: {  	s21 =	simm.s32 $0x13080;
	s22 =	simm.s32 $0x13880;
	[dreg:$0x19] =	wrdreg s7  }
0x1d: {  	s6 =	sadd.s32 s5, s1;
	s5 =	smul.u32 $0x300, s5;
	[dreg:$0x1c] =	wrdreg s25  }
0x1e: {  	s23 =	simm.s32 $0x14080;
	[dreg:$0x1d] =	wrdreg s26;
	s6 =	sadd.s32 $0x81E00, s6  }
0x1f: {  	s24 =	simm.s32 $0x14880;
	[dreg:$0x3] =	wrdreg s6;
	s3 =	sadd.s32 s3, s5  }
0x20: {  	s7 =	simm.s32 $0x2;
	s5 =	simm.s32 $0x2080;
	[dreg:$0x4] =	wrdreg s3  }
0x21: {  	s25 =	simm.s32 $0x15080;
	s6 =	simm.s32 $0x2880;
	[dreg:$0x8] =	wrdreg s5  }
0x22: {  	v2 =	vlaneseq.u32;
	s26 =	simm.s32 $0x15880;
	[dreg:$0x9] =	wrdreg s6;
	s3 =	sadd.s32 $0x82000, s1  }
0x23: {  	vm0 =	vmmov $0xffff;
	v1 =	vshrl.u32 v2, $0x3;
	s6 =	ssub.s32 s4, s20;
	s4 =	sadd.s32 $0x82100, s1;
	s5 =	sadd.s32 $0x82200, s1  }
0x24: {  	v0 =	vand.u32 $0x7, v2;
	v2 =	vor.u32 $0x8, v2;
	v1 =	vmul.u32 $0x8, v1;
	s20 =	simm.s32 $0x12880;
	s1 =	simm.s32 $0x1;
	s6 =	smax.u32 s6, $0x1  }
.LBB2_1:
0x25: {  	s0 =	rddreg [dreg:$0x3]  }
0x26: {  	[tilespmem:s2], [sflag:$0x2] =	stream.linear.gather [hbm4b:s0+s2], $0x80, $0x38;
	[tilespmem:$0x18080] =	vst v63  }
0x27: {  	_ =	swait.ge [sflag:s7], $0x80  }
0x28: {  	[sflag:s7] =	ssyncset.done $0x0  }
0x29: {  	[sflag:s7] =	ssyncadd.s32 $0xFFFFFF80  }
0x2a: {  	v3 =	vld [tilespmem:$0x0];
	_ =	sdelay $0x4  }
0x2b: {  	v4 =	vshrl.u32 v3, $0x3  }
0x2c: {  	v4 =	vmul.u32 $0x30, v4  }
0x2d: {  	v3 =	vand.u32 $0x7, v3  }
0x2e: {  	v3 =	vor.u32 v3, v4  }
0x2f: {  	v4 =	vperm.xlane v3, v0;
	_ =	sdelay $0x1  }
0x30: {  	v4 =	vadd.s32 v1, v4;
	_ =	sdelay $0x3  }
0x31: {  	v3 =	vperm.xlane v3, v2  }
0x32: {  	[tilespmem:s8], [sflag:$0x1] =	stream.indirect_vreg.gather [hbm4b:s3+s2], $0x80, v4, vm0, $0xb8;
	[tilespmem:$0x18080] =	vst v63  }
0x33: {  	s0 =	rddreg [dreg:$0x5];
	v3 =	vadd.s32 v1, v3  }
0x34: {  	[tilespmem:s0], [sflag:$0x1] =	stream.indirect_vreg.gather [hbm4b:s4+s2], $0x80, v4, vm0, $0xb8;
	[tilespmem:$0x18080] =	vst v63  }
0x35: {  	s9 =	rddreg [dreg:$0x6]  }
0x36: {  	[tilespmem:s9], [sflag:$0x1] =	stream.indirect_vreg.gather [hbm4b:s5+s2], $0x80, v4, vm0, $0xb8;
	[tilespmem:$0x18080] =	vst v63  }
0x37: {  	s0 =	rddreg [dreg:$0x7]  }
0x38: {  	[tilespmem:s0], [sflag:$0x1] =	stream.indirect_vreg.gather [hbm4b:s3+s2], $0x80, v3, vm0, $0xb8;
	[tilespmem:$0x18080] =	vst v63  }
0x39: {  	s9 =	rddreg [dreg:$0x8]  }
0x3a: {  	[tilespmem:s9], [sflag:$0x1] =	stream.indirect_vreg.gather [hbm4b:s4+s2], $0x80, v3, vm0, $0xb8;
	[tilespmem:$0x18080] =	vst v63  }
0x3b: {  	s0 =	rddreg [dreg:$0x9]  }
0x3c: {  	[tilespmem:s0], [sflag:$0x1] =	stream.indirect_vreg.gather [hbm4b:s5+s2], $0x80, v3, vm0, $0xb8;
	[tilespmem:$0x18080] =	vst v63  }
0x3d: {  	v3 =	vld [tilespmem:$0x10];
	_ =	sdelay $0x4  }
0x3e: {  	v57 =	vshrl.u32 v3, $0x3  }
0x3f: {  	v4 =	vmul.u32 $0x30, v57  }
0x40: {  	v3 =	vand.u32 $0x7, v3  }
0x41: {  	v3 =	vor.u32 v3, v4  }
0x42: {  	v4 =	vperm.xlane v3, v0;
	_ =	sdelay $0x1  }
0x43: {  	v4 =	vadd.s32 v1, v4;
	_ =	sdelay $0x3  }
0x44: {  	s0 =	rddreg [dreg:$0xa];
	v3 =	vperm.xlane v3, v2  }
0x45: {  	[tilespmem:s0], [sflag:$0x1] =	stream.indirect_vreg.gather [hbm4b:s3+s2], $0x80, v4, vm0, $0xb8;
	[tilespmem:$0x18080] =	vst v63  }
0x46: {  	s9 =	rddreg [dreg:$0xb];
	v3 =	vadd.s32 v1, v3  }
0x47: {  	[tilespmem:s9], [sflag:$0x1] =	stream.indirect_vreg.gather [hbm4b:s4+s2], $0x80, v4, vm0, $0xb8;
	[tilespmem:$0x18080] =	vst v63  }
0x48: {  	s0 =	rddreg [dreg:$0xc]  }
0x49: {  	[tilespmem:s0], [sflag:$0x1] =	stream.indirect_vreg.gather [hbm4b:s5+s2], $0x80, v4, vm0, $0xb8;
	[tilespmem:$0x18080] =	vst v63  }
0x4a: {  	s9 =	rddreg [dreg:$0xd]  }
0x4b: {  	[tilespmem:s9], [sflag:$0x1] =	stream.indirect_vreg.gather [hbm4b:s3+s2], $0x80, v3, vm0, $0xb8;
	[tilespmem:$0x18080] =	vst v63  }
0x4c: {  	s0 =	rddreg [dreg:$0xe]  }
0x4d: {  	[tilespmem:s0], [sflag:$0x1] =	stream.indirect_vreg.gather [hbm4b:s4+s2], $0x80, v3, vm0, $0xb8;
	[tilespmem:$0x18080] =	vst v63  }
0x4e: {  	s9 =	rddreg [dreg:$0xf]  }
0x4f: {  	[tilespmem:s9], [sflag:$0x1] =	stream.indirect_vreg.gather [hbm4b:s5+s2], $0x80, v3, vm0, $0xb8;
	[tilespmem:$0x18080] =	vst v63  }
0x50: {  	v3 =	vld [tilespmem:$0x20];
	_ =	sdelay $0x4  }
0x51: {  	v58 =	vshrl.u32 v3, $0x3  }
0x52: {  	v4 =	vmul.u32 $0x30, v58  }
0x53: {  	v3 =	vand.u32 $0x7, v3  }
0x54: {  	v3 =	vor.u32 v3, v4  }
0x55: {  	v4 =	vperm.xlane v3, v0;
	_ =	sdelay $0x1  }
0x56: {  	v4 =	vadd.s32 v1, v4;
	_ =	sdelay $0x3  }
0x57: {  	s0 =	rddreg [dreg:$0x10];
	v3 =	vperm.xlane v3, v2  }
0x58: {  	[tilespmem:s0], [sflag:$0x1] =	stream.indirect_vreg.gather [hbm4b:s3+s2], $0x80, v4, vm0, $0xb8;
	[tilespmem:$0x18080] =	vst v63  }
0x59: {  	s9 =	rddreg [dreg:$0x11];
	v3 =	vadd.s32 v1, v3  }
0x5a: {  	[tilespmem:s9], [sflag:$0x1] =	stream.indirect_vreg.gather [hbm4b:s4+s2], $0x80, v4, vm0, $0xb8;
	[tilespmem:$0x18080] =	vst v63  }
0x5b: {  	s0 =	rddreg [dreg:$0x12]  }
0x5c: {  	[tilespmem:s0], [sflag:$0x1] =	stream.indirect_vreg.gather [hbm4b:s5+s2], $0x80, v4, vm0, $0xb8;
	[tilespmem:$0x18080] =	vst v63  }
0x5d: {  	s9 =	rddreg [dreg:$0x13]  }
0x5e: {  	[tilespmem:s9], [sflag:$0x1] =	stream.indirect_vreg.gather [hbm4b:s3+s2], $0x80, v3, vm0, $0xb8;
	[tilespmem:$0x18080] =	vst v63  }
0x5f: {  	s0 =	rddreg [dreg:$0x14]  }
0x60: {  	[tilespmem:s0], [sflag:$0x1] =	stream.indirect_vreg.gather [hbm4b:s4+s2], $0x80, v3, vm0, $0xb8;
	[tilespmem:$0x18080] =	vst v63  }
0x61: {  	s9 =	rddreg [dreg:$0x15]  }
0x62: {  	[tilespmem:s9], [sflag:$0x1] =	stream.indirect_vreg.gather [hbm4b:s5+s2], $0x80, v3, vm0, $0xb8;
	[tilespmem:$0x18080] =	vst v63  }
0x63: {  	v3 =	vld [tilespmem:$0x30];
	_ =	sdelay $0x4  }
0x64: {  	v59 =	vshrl.u32 v3, $0x3  }
0x65: {  	v4 =	vmul.u32 $0x30, v59  }
0x66: {  	v3 =	vand.u32 $0x7, v3  }
0x67: {  	v3 =	vor.u32 v3, v4  }
0x68: {  	v4 =	vperm.xlane v3, v0;
	_ =	sdelay $0x1  }
0x69: {  	v4 =	vadd.s32 v1, v4;
	_ =	sdelay $0x3  }
0x6a: {  	s0 =	rddreg [dreg:$0x16];
	v3 =	vperm.xlane v3, v2  }
0x6b: {  	[tilespmem:s0], [sflag:$0x1] =	stream.indirect_vreg.gather [hbm4b:s3+s2], $0x80, v4, vm0, $0xb8;
	[tilespmem:$0x18080] =	vst v63  }
0x6c: {  	s9 =	rddreg [dreg:$0x17];
	v3 =	vadd.s32 v1, v3  }
0x6d: {  	[tilespmem:s9], [sflag:$0x1] =	stream.indirect_vreg.gather [hbm4b:s4+s2], $0x80, v4, vm0, $0xb8;
	[tilespmem:$0x18080] =	vst v63  }
0x6e: {  	s0 =	rddreg [dreg:$0x18]  }
0x6f: {  	[tilespmem:s0], [sflag:$0x1] =	stream.indirect_vreg.gather [hbm4b:s5+s2], $0x80, v4, vm0, $0xb8;
	[tilespmem:$0x18080] =	vst v63  }
0x70: {  	s9 =	rddreg [dreg:$0x19]  }
0x71: {  	[tilespmem:s9], [sflag:$0x1] =	stream.indirect_vreg.gather [hbm4b:s3+s2], $0x80, v3, vm0, $0xb8;
	[tilespmem:$0x18080] =	vst v63  }
0x72: {  	s0 =	rddreg [dreg:$0x1a]  }
0x73: {  	[tilespmem:s0], [sflag:$0x1] =	stream.indirect_vreg.gather [hbm4b:s4+s2], $0x80, v3, vm0, $0xb8;
	[tilespmem:$0x18080] =	vst v63  }
0x74: {  	s9 =	rddreg [dreg:$0x1b]  }
0x75: {  	[tilespmem:s9], [sflag:$0x1] =	stream.indirect_vreg.gather [hbm4b:s5+s2], $0x80, v3, vm0, $0xb8;
	[tilespmem:$0x18080] =	vst v63  }
0x76: {  	v3 =	vld [tilespmem:$0x40];
	_ =	sdelay $0x4  }
0x77: {  	v60 =	vshrl.u32 v3, $0x3  }
0x78: {  	v4 =	vmul.u32 $0x30, v60  }
0x79: {  	v3 =	vand.u32 $0x7, v3  }
0x7a: {  	v3 =	vor.u32 v3, v4  }
0x7b: {  	v4 =	vperm.xlane v3, v0;
	_ =	sdelay $0x1  }
0x7c: {  	v4 =	vadd.s32 v1, v4;
	_ =	sdelay $0x3  }
0x7d: {  	s0 =	rddreg [dreg:$0x1c];
	v3 =	vperm.xlane v3, v2  }
0x7e: {  	[tilespmem:s0], [sflag:$0x1] =	stream.indirect_vreg.gather [hbm4b:s3+s2], $0x80, v4, vm0, $0xb8;
	[tilespmem:$0x18080] =	vst v63  }
0x7f: {  	s9 =	rddreg [dreg:$0x1d];
	v3 =	vadd.s32 v1, v3  }
0x80: {  	[tilespmem:s9], [sflag:$0x1] =	stream.indirect_vreg.gather [hbm4b:s4+s2], $0x80, v4, vm0, $0xb8;
	[tilespmem:$0x18080] =	vst v63  }
0x81: {  	s9 =	simm.s32 $0xD080  }
0x82: {  	[tilespmem:s9], [sflag:$0x1] =	stream.indirect_vreg.gather [hbm4b:s5+s2], $0x80, v4, vm0, $0xb8;
	[tilespmem:$0x18080] =	vst v63  }
0x83: {  	_ = 	snop  }
0x84: {  	[tilespmem:s10], [sflag:$0x1] =	stream.indirect_vreg.gather [hbm4b:s3+s2], $0x80, v3, vm0, $0xb8;
	[tilespmem:$0x18080] =	vst v63  }
0x85: {  	_ = 	snop  }
0x86: {  	[tilespmem:s11], [sflag:$0x1] =	stream.indirect_vreg.gather [hbm4b:s4+s2], $0x80, v3, vm0, $0xb8;
	[tilespmem:$0x18080] =	vst v63  }
0x87: {  	_ = 	snop  }
0x88: {  	[tilespmem:s12], [sflag:$0x1] =	stream.indirect_vreg.gather [hbm4b:s5+s2], $0x80, v3, vm0, $0xb8;
	[tilespmem:$0x18080] =	vst v63  }
0x89: {  	v3 =	vld [tilespmem:$0x50];
	_ =	sdelay $0x4  }
0x8a: {  	v61 =	vshrl.u32 v3, $0x3  }
0x8b: {  	v4 =	vmul.u32 $0x30, v61  }
0x8c: {  	v3 =	vand.u32 $0x7, v3  }
0x8d: {  	v3 =	vor.u32 v3, v4  }
0x8e: {  	v4 =	vperm.xlane v3, v0;
	_ =	sdelay $0x1  }
0x8f: {  	v4 =	vadd.s32 v1, v4;
	_ =	sdelay $0x3  }
0x90: {  	v3 =	vperm.xlane v3, v2  }
0x91: {  	[tilespmem:s13], [sflag:$0x1] =	stream.indirect_vreg.gather [hbm4b:s3+s2], $0x80, v4, vm0, $0xb8;
	[tilespmem:$0x18080] =	vst v63  }
0x92: {  	v3 =	vadd.s32 v1, v3  }
0x93: {  	[tilespmem:s14], [sflag:$0x1] =	stream.indirect_vreg.gather [hbm4b:s4+s2], $0x80, v4, vm0, $0xb8;
	[tilespmem:$0x18080] =	vst v63  }
0x94: {  	_ = 	snop  }
0x95: {  	[tilespmem:s15], [sflag:$0x1] =	stream.indirect_vreg.gather [hbm4b:s5+s2], $0x80, v4, vm0, $0xb8;
	[tilespmem:$0x18080] =	vst v63  }
0x96: {  	_ = 	snop  }
0x97: {  	[tilespmem:s16], [sflag:$0x1] =	stream.indirect_vreg.gather [hbm4b:s3+s2], $0x80, v3, vm0, $0xb8;
	[tilespmem:$0x18080] =	vst v63  }
0x98: {  	_ = 	snop  }
0x99: {  	[tilespmem:s17], [sflag:$0x1] =	stream.indirect_vreg.gather [hbm4b:s4+s2], $0x80, v3, vm0, $0xb8;
	[tilespmem:$0x18080] =	vst v63  }
0x9a: {  	_ = 	snop  }
0x9b: {  	[tilespmem:s18], [sflag:$0x1] =	stream.indirect_vreg.gather [hbm4b:s5+s2], $0x80, v3, vm0, $0xb8;
	[tilespmem:$0x18080] =	vst v63  }
0x9c: {  	v3 =	vld [tilespmem:$0x60];
	_ =	sdelay $0x4  }
0x9d: {  	v62 =	vshrl.u32 v3, $0x3  }
0x9e: {  	v4 =	vmul.u32 $0x30, v62  }
0x9f: {  	v3 =	vand.u32 $0x7, v3  }
0xa0: {  	v3 =	vor.u32 v3, v4  }
0xa1: {  	v4 =	vperm.xlane v3, v0;
	_ =	sdelay $0x1  }
0xa2: {  	v4 =	vadd.s32 v1, v4;
	_ =	sdelay $0x3  }
0xa3: {  	v3 =	vperm.xlane v3, v2  }
0xa4: {  	[tilespmem:s19], [sflag:$0x1] =	stream.indirect_vreg.gather [hbm4b:s3+s2], $0x80, v4, vm0, $0xb8;
	[tilespmem:$0x18080] =	vst v63  }
0xa5: {  	v3 =	vadd.s32 v1, v3  }
0xa6: {  	[tilespmem:s20], [sflag:$0x1] =	stream.indirect_vreg.gather [hbm4b:s4+s2], $0x80, v4, vm0, $0xb8;
	[tilespmem:$0x18080] =	vst v63  }
0xa7: {  	_ = 	snop  }
0xa8: {  	[tilespmem:s21], [sflag:$0x1] =	stream.indirect_vreg.gather [hbm4b:s5+s2], $0x80, v4, vm0, $0xb8;
	[tilespmem:$0x18080] =	vst v63  }
0xa9: {  	_ = 	snop  }
0xaa: {  	[tilespmem:s22], [sflag:$0x1] =	stream.indirect_vreg.gather [hbm4b:s3+s2], $0x80, v3, vm0, $0xb8;
	[tilespmem:$0x18080] =	vst v63  }
0xab: {  	_ = 	snop  }
0xac: {  	[tilespmem:s23], [sflag:$0x1] =	stream.indirect_vreg.gather [hbm4b:s4+s2], $0x80, v3, vm0, $0xb8;
	[tilespmem:$0x18080] =	vst v63  }
0xad: {  	_ = 	snop  }
0xae: {  	[tilespmem:s24], [sflag:$0x1] =	stream.indirect_vreg.gather [hbm4b:s5+s2], $0x80, v3, vm0, $0xb8;
	[tilespmem:$0x18080] =	vst v63  }
0xaf: {  	v3 =	vld [tilespmem:$0x70];
	_ =	sdelay $0x4  }
0xb0: {  	v63 =	vshrl.u32 v3, $0x3  }
0xb1: {  	v4 =	vmul.u32 $0x30, v63  }
0xb2: {  	v3 =	vand.u32 $0x7, v3  }
0xb3: {  	v3 =	vor.u32 v3, v4  }
0xb4: {  	v4 =	vperm.xlane v3, v0;
	_ =	sdelay $0x1  }
0xb5: {  	v4 =	vadd.s32 v1, v4;
	_ =	sdelay $0x3  }
0xb6: {  	v3 =	vperm.xlane v3, v2  }
0xb7: {  	[tilespmem:s25], [sflag:$0x1] =	stream.indirect_vreg.gather [hbm4b:s3+s2], $0x80, v4, vm0, $0xb8;
	[tilespmem:$0x18080] =	vst v63  }
0xb8: {  	v3 =	vadd.s32 v1, v3  }
0xb9: {  	[tilespmem:s26], [sflag:$0x1] =	stream.indirect_vreg.gather [hbm4b:s4+s2], $0x80, v4, vm0, $0xb8;
	[tilespmem:$0x18080] =	vst v63  }
0xba: {  	_ = 	snop  }
0xbb: {  	[tilespmem:s28], [sflag:$0x1] =	stream.indirect_vreg.gather [hbm4b:s5+s2], $0x80, v4, vm0, $0xb8;
	[tilespmem:$0x18080] =	vst v63  }
0xbc: {  	_ = 	snop  }
0xbd: {  	[tilespmem:s29], [sflag:$0x1] =	stream.indirect_vreg.gather [hbm4b:s3+s2], $0x80, v3, vm0, $0xb8;
	[tilespmem:$0x18080] =	vst v63  }
0xbe: {  	_ = 	snop  }
0xbf: {  	[tilespmem:s30], [sflag:$0x1] =	stream.indirect_vreg.gather [hbm4b:s4+s2], $0x80, v3, vm0, $0xb8;
	[tilespmem:$0x18080] =	vst v63  }
0xc0: {  	_ = 	snop  }
0xc1: {  	[tilespmem:s31], [sflag:$0x1] =	stream.indirect_vreg.gather [hbm4b:s5+s2], $0x80, v3, vm0, $0xb8;
	[tilespmem:$0x18080] =	vst v63  }
0xc2: {  	_ =	swait.ge [sflag:s1], $0x18000  }
0xc3: {  	p0 =	sne.s32 s6, $0x1;
	[sflag:s1] =	ssyncset.done $0x0  }
.Ltmp0:
0xc4: {  	s9 =	rddreg [dreg:$0x4];
	[sflag:s1] =	ssyncadd.s32 $0xFFFE8000;
	(pc) =	sbr.rel @p0 .LBB2_1-.Ltmp0, $4  }
0xc5: {  	[hbm4b:s9+s2] =	stream.linear.scatter [tilespmem:s8], [sflag:$0x2], $0x18000, $0x38;
	[tilespmem:$0x18080] =	vst v63  }
0xc6: {  	_ =	swait.ge [sflag:s7], $0x18000  }
0xc7: {  	[sflag:s7] =	ssyncset.done $0x0  }
0xc8: {  	s6 =	sadd.s32 $0xFFFFFFFF, s6;
	[sflag:s7] =	ssyncadd.s32 $0xFFFE8000  }
0xc9: {  	_ =	sfence.sel $0x180000  }
0xca: {  	[bflag:$0x0] =	sbarrier.arrive $0xFFFF  }
0xcb: {  	_ =	strace $0x9000004A  }
0xcc: {  	s0 =	stileid.u32;
	[bflag:$0x2] =	sbarrier.arrive $0xFFFF  }
0xcd: {  	p0 =	sne.s32 s0, $0x0;
	s0 =	rddreg [dreg:$0x2]  }
0xce: {  	s0 =	sadd.s32 @!p0 $0x100000, s0  }
0xcf: {  	[sflag:s0] =	ssyncadd.tile.s32 @!p0 $0x1;
	_ =	shalt  }
.Lfunc_end2:
_tile_overlayer_lowered:
.L_overlay_start_2:
0xd0: {  	(tag) =	ssettag $0x2  }
0xd1: {  	s0 =	rddreg [dreg:$0x0];
	s2 =	stileid.u32  }
0xd2: {  	s1 =	rddreg [dreg:$0x1];
	p0 =	sne.s32 s2, $0x0  }
0xd3: {  	s3 =	rddreg [dreg:$0x2];
	[bflag:$0x3] =	sbarrier.arrive $0xFFFF;
	s2 =	simm.s32 @!p0 $0x1C02  }
0xd4: {  	[timem:s3], [sflag:s2] =	dma.local @!p0 [hbm:s0], s1  }
0xd5: {  	s0 =	simm.s32 @!p0 $0x2  }
0xd6: {  	_ =	swait.ge @!p0 [sflag:s0], s1  }
0xd7: {  	s1 =	ssub.s32 @!p0 $0x0, s1;
	[sflag:s0] =	ssyncset.done @!p0 $0x0  }
0xd8: {  	[sflag:s0] =	ssyncadd.s32 @!p0 s1  }
0xd9: {  	[bflag:$0x3] =	sbarrier.arrive $0xFFFF  }
0xda: {  	_ =	shalt  }

</sc_bundles>
